<compile_context>
chip_gen: v7x
topology: tpu7x:2x2x1
jax: 0.10.2.dev20260603
libtpu: 0.0.44.dev20260713+nightly
codegen_flags: <defaults>
</compile_context>

<pallas_src>
import functools

import jax
import jax.numpy as jnp
import numpy as np
from jax import lax
from jax.experimental import pallas as pl
from jax.experimental.pallas import tpu as pltpu
from jax.experimental.pallas import tpu_sc as plsc

N = 10000
E = 160000
D = 256
S = 64

BLK = 1000
NBLK = N // BLK

NTILE = 16
EPT = E // NTILE
CH = 176
NCHUNK_T = EPT // CH
TAIL_E = EPT - NCHUNK_T * CH
ROWS_A = 624
ROWS_LAST = N - 15 * ROWS_A


def _embed_body(x_ref, w_ref, g_ref, b_ref, lo_ref, hi_ref):
    nr = jnp.tanh(jnp.dot(x_ref[...].astype(jnp.bfloat16),
                          w_ref[...].astype(jnp.bfloat16),
                          preferred_element_type=jnp.float32))
    m = jnp.mean(nr, axis=-1, keepdims=True)
    v = jnp.mean((nr - m) ** 2, axis=-1, keepdims=True)
    y = (nr - m) / jnp.sqrt(v + 1e-5) * g_ref[...] + b_ref[...]
    lo_ref[...] = y[:, :128]
    hi_ref[...] = y[:, 128:]


def _embed(node_feats, W_emb, ln_g, ln_b):
    return pl.pallas_call(
        _embed_body,
        grid=(NBLK,),
        in_specs=[
            pl.BlockSpec((BLK, D), lambda i: (i, 0)),
            pl.BlockSpec((D, D), lambda i: (0, 0)),
            pl.BlockSpec((1, D), lambda i: (0, 0)),
            pl.BlockSpec((1, D), lambda i: (0, 0)),
        ],
        out_specs=[
            pl.BlockSpec((BLK, 128), lambda i: (i, 0)),
            pl.BlockSpec((BLK, 128), lambda i: (i, 0)),
        ],
        out_shape=[
            jax.ShapeDtypeStruct((N, 128), jnp.float32),
            jax.ShapeDtypeStruct((N, 128), jnp.float32),
        ],
    )(node_feats, W_emb, ln_g.reshape(1, D), ln_b.reshape(1, D))


_ZEROS = np.zeros((N, 128), np.float32)


def _seg_sum(src, dst, nr_lo, nr_hi, zeros):
    mesh = plsc.VectorSubcoreMesh(core_axis_name="c", subcore_axis_name="s")

    @functools.partial(
        pl.kernel,
        mesh=mesh,
        out_type=[
            jax.ShapeDtypeStruct((N, 128), jnp.float32),
            jax.ShapeDtypeStruct((N, 128), jnp.float32),
        ],
        scratch_types=[
            pltpu.VMEM((CH,), jnp.int32),
            pltpu.VMEM((CH,), jnp.int32),
            pltpu.VMEM((CH,), jnp.int32),
            pltpu.VMEM((CH,), jnp.int32),
            pltpu.VMEM((CH,), jnp.int32),
            pltpu.VMEM((CH,), jnp.int32),
            pltpu.VMEM((CH,), jnp.int32),
            pltpu.VMEM((CH,), jnp.int32),
            pltpu.VMEM((CH, 128), jnp.float32),
            pltpu.VMEM((CH, 128), jnp.float32),
            pltpu.VMEM((TAIL_E,), jnp.int32),
            pltpu.VMEM((TAIL_E,), jnp.int32),
            pltpu.VMEM_SHARED((N, 128), jnp.float32),
            pltpu.SemaphoreType.DMA,
            pltpu.SemaphoreType.DMA,
            pltpu.SemaphoreType.DMA,
            pltpu.SemaphoreType.DMA,
            pltpu.SemaphoreType.DMA,
            pltpu.SemaphoreType.DMA,
        ],
    )
    def sc_kernel(src_hbm, dst_hbm, nrlo_hbm, nrhi_hbm, zero_hbm,
                  outlo_hbm, outhi_hbm, isrc0, isrc1, isrc2, isrc3,
                  idst0, idst1, idst2, idst3, rows0, rows1,
                  src_t, dst_t, acc, gsem0, gsem1, is0, is1, is2, is3):
        c = lax.axis_index("c")
        s = lax.axis_index("s")
        isrc = (isrc0, isrc1, isrc2, isrc3)
        idst = (idst0, idst1, idst2, idst3)
        rows = (rows0, rows1)
        gsems = (gsem0, gsem1)
        isems = (is0, is1, is2, is3)

        def half(nr_hbm, out_hbm):
            @pl.when(s < 15)
            def _():
                pltpu.sync_copy(zero_hbm.at[pl.ds(s * ROWS_A, ROWS_A)],
                                acc.at[pl.ds(s * ROWS_A, ROWS_A)])

            @pl.when(s == 15)
            def _():
                pltpu.sync_copy(zero_hbm.at[pl.ds(15 * ROWS_A, ROWS_LAST)],
                                acc.at[pl.ds(15 * ROWS_A, ROWS_LAST)])

            plsc.subcore_barrier()

            def i_copies(k, slot):
                base = s * EPT + k * CH
                return (
                    pltpu.make_async_copy(src_hbm.at[pl.ds(base, CH)],
                                          isrc[slot], isems[slot]),
                    pltpu.make_async_copy(dst_hbm.at[pl.ds(base, CH)],
                                          idst[slot], isems[slot]),
                )

            def i_start(k, slot):
                for cp in i_copies(k, slot):
                    cp.start()

            def i_wait(k, slot):
                for cp in i_copies(k, slot):
                    cp.wait()

            def g_start(slot, rslot):
                pltpu.make_async_copy(nr_hbm.at[isrc[slot]],
                                      rows[rslot], gsems[rslot]).start()

            def g_wait(slot, rslot):
                pltpu.make_async_copy(nr_hbm.at[isrc[slot]],
                                      rows[rslot], gsems[rslot]).wait()

            def s_add(slot, rslot):
                pltpu.sync_copy(rows[rslot], acc.at[idst[slot]], add=True)

            i_start(0, 0)
            i_start(1, 1)
            i_wait(0, 0)
            g_start(0, 0)

            @pl.loop(0, NCHUNK_T // 4)
            def _(t):
                for j in range(4):
                    k = 4 * t + j

                    @pl.when(k + 2 < NCHUNK_T)
                    def _():
                        i_start(k + 2, (j + 2) % 4)

                    @pl.when(k + 1 < NCHUNK_T)
                    def _():
                        i_wait(k + 1, (j + 1) % 4)
                        g_start((j + 1) % 4, (j + 1) % 2)

                    g_wait(j, j % 2)
                    s_add(j, j % 2)

            tbase = s * EPT + NCHUNK_T * CH
            pltpu.sync_copy(src_hbm.at[pl.ds(tbase, TAIL_E)], src_t)
            pltpu.sync_copy(dst_hbm.at[pl.ds(tbase, TAIL_E)], dst_t)
            pltpu.async_copy(nr_hbm.at[src_t],
                             rows0.at[pl.ds(0, TAIL_E)], gsem0).wait()
            pltpu.sync_copy(rows0.at[pl.ds(0, TAIL_E)],
                            acc.at[dst_t], add=True)

            plsc.subcore_barrier()

            @pl.when(s < 15)
            def _():
                pltpu.sync_copy(acc.at[pl.ds(s * ROWS_A, ROWS_A)],
                                out_hbm.at[pl.ds(s * ROWS_A, ROWS_A)])

            @pl.when(s == 15)
            def _():
                pltpu.sync_copy(acc.at[pl.ds(15 * ROWS_A, ROWS_LAST)],
                                out_hbm.at[pl.ds(15 * ROWS_A, ROWS_LAST)])

        @pl.when(c == 0)
        def _():
            half(nrlo_hbm, outlo_hbm)

        @pl.when(c == 1)
        def _():
            half(nrhi_hbm, outhi_hbm)

    return sc_kernel(src, dst, nr_lo, nr_hi, zeros)


def _cell_body(lo_b, hi_b, nrlo_ref, nrhi_ref, hlo_ref, hhi_ref,
               wx_ref, wh_ref, bg_ref, seg_ref, out_ref, acc_ref):
    i = pl.program_id(0)

    @pl.when(i == 0)
    def _():
        acc_ref[...] = jnp.full((S, D), -jnp.inf, jnp.float32)

    nr = jnp.concatenate([nrlo_ref[...], nrhi_ref[...]], axis=1)
    h = jnp.concatenate([hlo_ref[...], hhi_ref[...]], axis=1)
    gates = (jnp.dot(nr.astype(jnp.bfloat16),
                     wx_ref[...].astype(jnp.bfloat16),
                     preferred_element_type=jnp.float32)
             + jnp.dot(h.astype(jnp.bfloat16),
                       wh_ref[...].astype(jnp.bfloat16),
                       preferred_element_type=jnp.float32)
             + bg_ref[...])
    i_g = jax.nn.sigmoid(gates[:, :D])
    f_g = jax.nn.sigmoid(gates[:, D:2 * D])
    g_g = jnp.tanh(gates[:, 2 * D:3 * D])
    o_g = jax.nn.sigmoid(gates[:, 3 * D:])
    cell = i_g * g_g + f_g * h
    pooled = o_g * jnp.tanh(cell)

    seg = seg_ref[...]
    s_lo = lo_b[i]
    s_hi = hi_b[i]

    def body(sid, _):
        contrib = jnp.where(seg == sid, pooled, -jnp.inf)
        mx = jnp.max(contrib, axis=0)[None, :]
        acc_ref[pl.ds(sid, 1), :] = jnp.maximum(acc_ref[pl.ds(sid, 1), :], mx)
        return 0

    lax.fori_loop(s_lo, s_hi + 1, body, 0)

    @pl.when(i == NBLK - 1)
    def _():
        out_ref[...] = acc_ref[...]


def _cell_and_pool(nr_lo, nr_hi, h_lo, h_hi, W_x, W_h, b_g,
                   seg_col, blk_lo, blk_hi):
    return pl.pallas_call(
        _cell_body,
        grid=(NBLK,),
        in_specs=[
            pl.BlockSpec(memory_space=pltpu.SMEM),
            pl.BlockSpec(memory_space=pltpu.SMEM),
            pl.BlockSpec((BLK, 128), lambda i: (i, 0)),
            pl.BlockSpec((BLK, 128), lambda i: (i, 0)),
            pl.BlockSpec((BLK, 128), lambda i: (i, 0)),
            pl.BlockSpec((BLK, 128), lambda i: (i, 0)),
            pl.BlockSpec((D, 4 * D), lambda i: (0, 0)),
            pl.BlockSpec((D, 4 * D), lambda i: (0, 0)),
            pl.BlockSpec((1, 4 * D), lambda i: (0, 0)),
            pl.BlockSpec((BLK, 1), lambda i: (i, 0)),
        ],
        out_specs=pl.BlockSpec((S, D), lambda i: (0, 0)),
        out_shape=jax.ShapeDtypeStruct((S, D), jnp.float32),
        scratch_shapes=[pltpu.VMEM((S, D), jnp.float32)],
    )(blk_lo, blk_hi, nr_lo, nr_hi, h_lo, h_hi, W_x, W_h,
      b_g.reshape(1, 4 * D), seg_col.reshape(N, 1))


def kernel(node_feats, edge_index, segment_ids, W_emb, ln_g, ln_b, W_x, W_h, b_g):
    src = edge_index[0].astype(jnp.int32)
    dst = edge_index[1].astype(jnp.int32)
    seg = segment_ids.astype(jnp.int32)

    nr_lo, nr_hi = _embed(node_feats, W_emb, ln_g, ln_b)

    h_lo, h_hi = _seg_sum(src, dst, nr_lo, nr_hi, jnp.asarray(_ZEROS))

    starts = jnp.arange(NBLK, dtype=jnp.int32) * BLK
    blk_lo = seg[starts]
    blk_hi = seg[starts + (BLK - 1)]

    return _cell_and_pool(nr_lo, nr_hi, h_lo, h_hi, W_x, W_h, b_g,
                          seg, blk_lo, blk_hi)

# --- scband reference (transcript-rebuilt; emitter-appended) ---
"""Pipeline reference for scband-dag-lstmpool-6038724018711 (READ-ONLY COPY).

The authoritative reference and input builder live on the scoring server;
editing this copy changes nothing except your own understanding.
"""

import jax, jax.numpy as jnp
import numpy as np

N = 10000
E = 160000
D = 256
S = 64

def layer_norm(x, g, b, eps=1e-5):
    m = jnp.mean(x, axis=-1, keepdims=True)
    v = jnp.var(x, axis=-1, keepdims=True)
    return (x - m) / jnp.sqrt(v + eps) * g + b

def setup_inputs(seed: int = 0):
    key = jax.random.key(seed)
    ks = jax.random.split(key, 8)
    node_feats = jax.random.normal(ks[0], (N, D), dtype=jnp.float32)
    edge_index = jax.random.randint(ks[1], (2, E), 0, N, dtype=jnp.int64)
    segment_ids = jnp.sort(jax.random.randint(ks[2], (N,), 0, S, dtype=jnp.int64))
    scale = 1.0 / np.sqrt(D)
    W_emb = jax.random.normal(ks[3], (D, D), dtype=jnp.float32) * scale
    ln_g = jnp.ones((D,), dtype=jnp.float32)
    ln_b = jnp.zeros((D,), dtype=jnp.float32)
    W_x = jax.random.normal(ks[4], (D, 4 * D), dtype=jnp.float32) * scale
    W_h = jax.random.normal(ks[5], (D, 4 * D), dtype=jnp.float32) * scale
    b_g = jnp.zeros((4 * D,), dtype=jnp.float32)
    return {"node_feats": node_feats, "edge_index": edge_index, "segment_ids": segment_ids,
            "W_emb": W_emb, "ln_g": ln_g, "ln_b": ln_b, "W_x": W_x, "W_h": W_h, "b_g": b_g}

def reference(node_feats, edge_index, segment_ids, W_emb, ln_g, ln_b, W_x, W_h, b_g):
    # node_embedder.compute_node_reprs: dense embed of raw node features
    node_reprs = jnp.tanh(node_feats @ W_emb)
    # self.ne_norm
    node_reprs = layer_norm(node_reprs, ln_g, ln_b)
    # dag_lstm.compute_node_reprs: message aggregation along DAG edges + LSTM cell
    src = edge_index[0]
    dst = edge_index[1]
    msgs = jnp.take(node_reprs, src, axis=0)                      # gather
    h_agg = jax.ops.segment_sum(msgs, dst, num_segments=N)        # scatter-add accumulation
    gates = node_reprs @ W_x + h_agg @ W_h + b_g
    i_g, f_g, g_g, o_g = jnp.split(gates, 4, axis=-1)
    i_g = jax.nn.sigmoid(i_g)
    f_g = jax.nn.sigmoid(f_g)
    o_g = jax.nn.sigmoid(o_g)
    g_g = jnp.tanh(g_g)
    c = i_g * g_g + f_g * h_agg
    pooled_reprs = o_g * jnp.tanh(c)
    # per-graph max pooling over node index sets (conj/prem sets -> segment max)
    graph_reprs = jax.ops.segment_max(pooled_reprs, segment_ids, num_segments=S)
    return graph_reprs

if __name__ == "__main__":
    import jax
    _d = setup_inputs()
    print(jax.jit(kernel)(*tuple(_d.values())))

</pallas_src>

<mosaic_0001>
#map = affine_map<(d0, d1) -> (0)>
#map1 = affine_map<(d0, d1) -> (0, 0)>
module attributes {stable_mosaic.version = 14 : i64} {
  func.func @sc_kernel(%arg0: i32, %arg1: i32, %arg2: memref<160000xi32, #tpu.memory_space<hbm>>, %arg3: memref<160000xi32, #tpu.memory_space<hbm>>, %arg4: memref<10000x128xf32, #tpu.memory_space<hbm>>, %arg5: memref<10000x128xf32, #tpu.memory_space<hbm>>, %arg6: memref<10000x128xf32, #tpu.memory_space<hbm>>, %arg7: memref<10000x128xf32, #tpu.memory_space<hbm>>, %arg8: memref<10000x128xf32, #tpu.memory_space<hbm>>, %arg9: memref<176xi32, #tpu.memory_space<vmem>>, %arg10: memref<176xi32, #tpu.memory_space<vmem>>, %arg11: memref<176xi32, #tpu.memory_space<vmem>>, %arg12: memref<176xi32, #tpu.memory_space<vmem>>, %arg13: memref<176xi32, #tpu.memory_space<vmem>>, %arg14: memref<176xi32, #tpu.memory_space<vmem>>, %arg15: memref<176xi32, #tpu.memory_space<vmem>>, %arg16: memref<176xi32, #tpu.memory_space<vmem>>, %arg17: memref<176x128xf32, #tpu.memory_space<vmem>>, %arg18: memref<176x128xf32, #tpu.memory_space<vmem>>, %arg19: memref<144xi32, #tpu.memory_space<vmem>>, %arg20: memref<144xi32, #tpu.memory_space<vmem>>, %arg21: memref<10000x128xf32, #tpu.memory_space<vmem_shared>>, %arg22: memref<!tpu.dma_semaphore, #tpu.memory_space<semaphore_mem>>, %arg23: memref<!tpu.dma_semaphore, #tpu.memory_space<semaphore_mem>>, %arg24: memref<!tpu.dma_semaphore, #tpu.memory_space<semaphore_mem>>, %arg25: memref<!tpu.dma_semaphore, #tpu.memory_space<semaphore_mem>>, %arg26: memref<!tpu.dma_semaphore, #tpu.memory_space<semaphore_mem>>, %arg27: memref<!tpu.dma_semaphore, #tpu.memory_space<semaphore_mem>>) attributes {dimension_semantics = [#tpu.dimension_semantics<core_parallel>, #tpu.dimension_semantics<subcore_parallel>], iteration_bounds = array<i64: 2, 16>, scalar_prefetch = 0 : i64, scratch_operands = 19 : i64, tpu.core_type = #tpu.core_type<sc_vector_subcore>, window_params = [{transform_indices = #map}, {transform_indices = #map}, {transform_indices = #map1}, {transform_indices = #map1}, {transform_indices = #map1}, {transform_indices = #map1}, {transform_indices = #map1}]} {
    %eq3A = arith.constant 0 : i32
    %eq3A_0 = arith.cmpi eq, %arg0, %eq3A : i32
    %convert_element_type3A = arith.extui %eq3A_0 : i1 to i32
    %cond3A = arith.constant 0 : i32
    %cond3A_1 = arith.cmpi ne, %convert_element_type3A, %cond3A : i32
    scf.if %cond3A_1 {
      %lt3A = arith.constant 15 : i32
      %lt3A_7 = arith.cmpi slt, %arg1, %lt3A : i32
      %convert_element_type3A_8 = arith.extui %lt3A_7 : i1 to i32
      %cond3A_9 = arith.constant 0 : i32
      %cond3A_10 = arith.cmpi ne, %convert_element_type3A_8, %cond3A_9 : i32
      scf.if %cond3A_10 {
        %mul3A_70 = arith.constant 624 : i32
        %mul3A_71 = arith.muli %arg1, %mul3A_70 : i32
        %mul3A_72 = arith.constant 624 : i32
        %mul3A_73 = arith.muli %arg1, %mul3A_72 : i32
        "tpu.region"() ({
          %run_scoped3A = tpu.sem_alloc : memref<!tpu.dma_semaphore, #tpu.memory_space<semaphore_mem>>
          %dma_start3A_74 = arith.constant 0 : i32
          %dma_start3A_75 = tpu.memref_slice %arg21[%mul3A_73, %dma_start3A_74] : memref<10000x128xf32, #tpu.memory_space<vmem_shared>> -> memref<624x128xf32, #tpu.memory_space<vmem_shared>>
          %dma_start3A_76 = arith.constant 0 : i32
          %dma_start3A_77 = tpu.memref_slice %arg6[%mul3A_71, %dma_start3A_76] : memref<10000x128xf32, #tpu.memory_space<hbm>> -> memref<624x128xf32, #tpu.memory_space<hbm>>
          tpu.enqueue_dma source(%dma_start3A_77 : memref<624x128xf32, #tpu.memory_space<hbm>>) target(%dma_start3A_75 : memref<624x128xf32, #tpu.memory_space<vmem_shared>>) target_semaphore(%run_scoped3A : memref<!tpu.dma_semaphore, #tpu.memory_space<semaphore_mem>>)
          %dma_wait3A_78 = arith.constant 0 : i32
          %dma_wait3A_79 = tpu.memref_slice %arg21[%mul3A_73, %dma_wait3A_78] : memref<10000x128xf32, #tpu.memory_space<vmem_shared>> -> memref<624x128xf32, #tpu.memory_space<vmem_shared>>
          %dma_wait3A_80 = arith.constant 0 : i32
          %dma_wait3A_81 = tpu.memref_slice %arg6[%mul3A_71, %dma_wait3A_80] : memref<10000x128xf32, #tpu.memory_space<hbm>> -> memref<624x128xf32, #tpu.memory_space<hbm>>
          tpu.wait_dma2 semaphore(%run_scoped3A : memref<!tpu.dma_semaphore, #tpu.memory_space<semaphore_mem>>) src(%dma_wait3A_81 : memref<624x128xf32, #tpu.memory_space<hbm>>) dst(%dma_wait3A_79 : memref<624x128xf32, #tpu.memory_space<vmem_shared>>)
          tpu.yield
        }) : () -> ()
      } else {
      }
      %eq3A_11 = arith.constant 15 : i32
      %eq3A_12 = arith.cmpi eq, %arg1, %eq3A_11 : i32
      %convert_element_type3A_13 = arith.extui %eq3A_12 : i1 to i32
      %cond3A_14 = arith.constant 0 : i32
      %cond3A_15 = arith.cmpi ne, %convert_element_type3A_13, %cond3A_14 : i32
      scf.if %cond3A_15 {
        "tpu.region"() ({
          %run_scoped3A = tpu.sem_alloc : memref<!tpu.dma_semaphore, #tpu.memory_space<semaphore_mem>>
          %dma_start3A_70 = arith.constant 9360 : i32
          %dma_start3A_71 = arith.constant 0 : i32
          %dma_start3A_72 = tpu.memref_slice %arg21[%dma_start3A_70, %dma_start3A_71] : memref<10000x128xf32, #tpu.memory_space<vmem_shared>> -> memref<640x128xf32, #tpu.memory_space<vmem_shared>>
          %dma_start3A_73 = arith.constant 9360 : i32
          %dma_start3A_74 = arith.constant 0 : i32
          %dma_start3A_75 = tpu.memref_slice %arg6[%dma_start3A_73, %dma_start3A_74] : memref<10000x128xf32, #tpu.memory_space<hbm>> -> memref<640x128xf32, #tpu.memory_space<hbm>>
          tpu.enqueue_dma source(%dma_start3A_75 : memref<640x128xf32, #tpu.memory_space<hbm>>) target(%dma_start3A_72 : memref<640x128xf32, #tpu.memory_space<vmem_shared>>) target_semaphore(%run_scoped3A : memref<!tpu.dma_semaphore, #tpu.memory_space<semaphore_mem>>)
          %dma_wait3A_76 = arith.constant 9360 : i32
          %dma_wait3A_77 = arith.constant 0 : i32
          %dma_wait3A_78 = tpu.memref_slice %arg21[%dma_wait3A_76, %dma_wait3A_77] : memref<10000x128xf32, #tpu.memory_space<vmem_shared>> -> memref<640x128xf32, #tpu.memory_space<vmem_shared>>
          %dma_wait3A_79 = arith.constant 9360 : i32
          %dma_wait3A_80 = arith.constant 0 : i32
          %dma_wait3A_81 = tpu.memref_slice %arg6[%dma_wait3A_79, %dma_wait3A_80] : memref<10000x128xf32, #tpu.memory_space<hbm>> -> memref<640x128xf32, #tpu.memory_space<hbm>>
          tpu.wait_dma2 semaphore(%run_scoped3A : memref<!tpu.dma_semaphore, #tpu.memory_space<semaphore_mem>>) src(%dma_wait3A_81 : memref<640x128xf32, #tpu.memory_space<hbm>>) dst(%dma_wait3A_78 : memref<640x128xf32, #tpu.memory_space<vmem_shared>>)
          tpu.yield
        }) : () -> ()
      } else {
      }
      %barrier3A = arith.constant 0 : index
      tpu.barrier barrier_id(%barrier3A)
      %mul3A = arith.constant 10000 : i32
      %mul3A_16 = arith.muli %arg1, %mul3A : i32
      %add3A = arith.constant 0 : i32
      %add3A_17 = arith.addi %mul3A_16, %add3A : i32
      %dma_start3A = tpu.memref_slice %arg2[%add3A_17] : memref<160000xi32, #tpu.memory_space<hbm>> -> memref<176xi32, #tpu.memory_space<hbm>>
      %dma_start3A_18 = tpu.memref_slice %arg2[%add3A_17] : memref<160000xi32, #tpu.memory_space<hbm>> -> memref<176xi32, #tpu.memory_space<hbm>>
      tpu.enqueue_dma source(%dma_start3A_18 : memref<176xi32, #tpu.memory_space<hbm>>) target(%arg9 : memref<176xi32, #tpu.memory_space<vmem>>) target_semaphore(%arg24 : memref<!tpu.dma_semaphore, #tpu.memory_space<semaphore_mem>>)
      %dma_start3A_19 = tpu.memref_slice %arg3[%add3A_17] : memref<160000xi32, #tpu.memory_space<hbm>> -> memref<176xi32, #tpu.memory_space<hbm>>
      %dma_start3A_20 = tpu.memref_slice %arg3[%add3A_17] : memref<160000xi32, #tpu.memory_space<hbm>> -> memref<176xi32, #tpu.memory_space<hbm>>
      tpu.enqueue_dma source(%dma_start3A_20 : memref<176xi32, #tpu.memory_space<hbm>>) target(%arg13 : memref<176xi32, #tpu.memory_space<vmem>>) target_semaphore(%arg24 : memref<!tpu.dma_semaphore, #tpu.memory_space<semaphore_mem>>)
      %mul3A_21 = arith.constant 10000 : i32
      %mul3A_22 = arith.muli %arg1, %mul3A_21 : i32
      %add3A_23 = arith.constant 176 : i32
      %add3A_24 = arith.addi %mul3A_22, %add3A_23 : i32
      %dma_start3A_25 = tpu.memref_slice %arg2[%add3A_24] : memref<160000xi32, #tpu.memory_space<hbm>> -> memref<176xi32, #tpu.memory_space<hbm>>
      %dma_start3A_26 = tpu.memref_slice %arg2[%add3A_24] : memref<160000xi32, #tpu.memory_space<hbm>> -> memref<176xi32, #tpu.memory_space<hbm>>
      tpu.enqueue_dma source(%dma_start3A_26 : memref<176xi32, #tpu.memory_space<hbm>>) target(%arg10 : memref<176xi32, #tpu.memory_space<vmem>>) target_semaphore(%arg25 : memref<!tpu.dma_semaphore, #tpu.memory_space<semaphore_mem>>)
      %dma_start3A_27 = tpu.memref_slice %arg3[%add3A_24] : memref<160000xi32, #tpu.memory_space<hbm>> -> memref<176xi32, #tpu.memory_space<hbm>>
      %dma_start3A_28 = tpu.memref_slice %arg3[%add3A_24] : memref<160000xi32, #tpu.memory_space<hbm>> -> memref<176xi32, #tpu.memory_space<hbm>>
      tpu.enqueue_dma source(%dma_start3A_28 : memref<176xi32, #tpu.memory_space<hbm>>) target(%arg14 : memref<176xi32, #tpu.memory_space<vmem>>) target_semaphore(%arg25 : memref<!tpu.dma_semaphore, #tpu.memory_space<semaphore_mem>>)
      %mul3A_29 = arith.constant 10000 : i32
      %mul3A_30 = arith.muli %arg1, %mul3A_29 : i32
      %add3A_31 = arith.constant 0 : i32
      %add3A_32 = arith.addi %mul3A_30, %add3A_31 : i32
      %dma_wait3A = tpu.memref_slice %arg2[%add3A_32] : memref<160000xi32, #tpu.memory_space<hbm>> -> memref<176xi32, #tpu.memory_space<hbm>>
      %dma_wait3A_33 = tpu.memref_slice %arg2[%add3A_32] : memref<160000xi32, #tpu.memory_space<hbm>> -> memref<176xi32, #tpu.memory_space<hbm>>
      tpu.wait_dma2 semaphore(%arg24 : memref<!tpu.dma_semaphore, #tpu.memory_space<semaphore_mem>>) src(%dma_wait3A_33 : memref<176xi32, #tpu.memory_space<hbm>>) dst(%arg9 : memref<176xi32, #tpu.memory_space<vmem>>)
      %dma_wait3A_34 = tpu.memref_slice %arg3[%add3A_32] : memref<160000xi32, #tpu.memory_space<hbm>> -> memref<176xi32, #tpu.memory_space<hbm>>
      %dma_wait3A_35 = tpu.memref_slice %arg3[%add3A_32] : memref<160000xi32, #tpu.memory_space<hbm>> -> memref<176xi32, #tpu.memory_space<hbm>>
      tpu.wait_dma2 semaphore(%arg24 : memref<!tpu.dma_semaphore, #tpu.memory_space<semaphore_mem>>) src(%dma_wait3A_35 : memref<176xi32, #tpu.memory_space<hbm>>) dst(%arg13 : memref<176xi32, #tpu.memory_space<vmem>>)
      %dma_start3A_36 = arith.constant 0 : i32
      %dma_start3A_37 = arith.constant 0 : i32
      %dma_start3A_38 = tpu.memref_slice %arg4[%dma_start3A_36, %dma_start3A_37] : memref<10000x128xf32, #tpu.memory_space<hbm>> -> memref<10000x128xf32, #tpu.memory_space<hbm>>
      tpu.enqueue_indirect_dma source(%dma_start3A_38 : memref<10000x128xf32, #tpu.memory_space<hbm>>) target(%arg17 : memref<176x128xf32, #tpu.memory_space<vmem>>) offsets(%arg9 : memref<176xi32, #tpu.memory_space<vmem>>) semaphore(%arg22 : memref<!tpu.dma_semaphore, #tpu.memory_space<semaphore_mem>>)
      %scan3A = arith.constant 0 : i32
      %scan3A_39 = arith.constant 14 : i32
      %scan3A_40 = arith.addi %scan3A, %scan3A_39 : i32
      %scan3A_41 = arith.constant 1 : i32
      scf.for %scan3A_70 = %scan3A to %scan3A_40 step %scan3A_41  : i32 {
        %mul3A_71 = arith.constant 1 : i32
        %mul3A_72 = arith.muli %scan3A_70, %mul3A_71 : i32
        %add3A_73 = arith.constant 0 : i32
        %add3A_74 = arith.addi %add3A_73, %mul3A_72 : i32
        %mul3A_75 = arith.constant 4 : i32
        %mul3A_76 = arith.muli %mul3A_75, %add3A_74 : i32
        %add3A_77 = arith.constant 0 : i32
        %add3A_78 = arith.addi %mul3A_76, %add3A_77 : i32
        %add3A_79 = arith.constant 2 : i32
        %add3A_80 = arith.addi %add3A_78, %add3A_79 : i32
        %lt3A_81 = arith.constant 56 : i32
        %lt3A_82 = arith.cmpi slt, %add3A_80, %lt3A_81 : i32
        %convert_element_type3A_83 = arith.extui %lt3A_82 : i1 to i32
        %cond3A_84 = arith.constant 0 : i32
        %cond3A_85 = arith.cmpi ne, %convert_element_type3A_83, %cond3A_84 : i32
        scf.if %cond3A_85 {
          %add3A_159 = arith.constant 2 : i32
          %add3A_160 = arith.addi %add3A_78, %add3A_159 : i32
          %mul3A_161 = arith.constant 10000 : i32
          %mul3A_162 = arith.muli %arg1, %mul3A_161 : i32
          %mul3A_163 = arith.constant 176 : i32
          %mul3A_164 = arith.muli %add3A_160, %mul3A_163 : i32
          %add3A_165 = arith.addi %mul3A_162, %mul3A_164 : i32
          %dma_start3A_166 = tpu.memref_slice %arg2[%add3A_165] : memref<160000xi32, #tpu.memory_space<hbm>> -> memref<176xi32, #tpu.memory_space<hbm>>
          %dma_start3A_167 = tpu.memref_slice %arg2[%add3A_165] : memref<160000xi32, #tpu.memory_space<hbm>> -> memref<176xi32, #tpu.memory_space<hbm>>
          tpu.enqueue_dma source(%dma_start3A_167 : memref<176xi32, #tpu.memory_space<hbm>>) target(%arg11 : memref<176xi32, #tpu.memory_space<vmem>>) target_semaphore(%arg26 : memref<!tpu.dma_semaphore, #tpu.memory_space<semaphore_mem>>)
          %dma_start3A_168 = tpu.memref_slice %arg3[%add3A_165] : memref<160000xi32, #tpu.memory_space<hbm>> -> memref<176xi32, #tpu.memory_space<hbm>>
          %dma_start3A_169 = tpu.memref_slice %arg3[%add3A_165] : memref<160000xi32, #tpu.memory_space<hbm>> -> memref<176xi32, #tpu.memory_space<hbm>>
          tpu.enqueue_dma source(%dma_start3A_169 : memref<176xi32, #tpu.memory_space<hbm>>) target(%arg15 : memref<176xi32, #tpu.memory_space<vmem>>) target_semaphore(%arg26 : memref<!tpu.dma_semaphore, #tpu.memory_space<semaphore_mem>>)
        } else {
        }
        %add3A_86 = arith.constant 1 : i32
        %add3A_87 = arith.addi %add3A_78, %add3A_86 : i32
        %lt3A_88 = arith.constant 56 : i32
        %lt3A_89 = arith.cmpi slt, %add3A_87, %lt3A_88 : i32
        %convert_element_type3A_90 = arith.extui %lt3A_89 : i1 to i32
        %cond3A_91 = arith.constant 0 : i32
        %cond3A_92 = arith.cmpi ne, %convert_element_type3A_90, %cond3A_91 : i32
        scf.if %cond3A_92 {
          %add3A_159 = arith.constant 1 : i32
          %add3A_160 = arith.addi %add3A_78, %add3A_159 : i32
          %mul3A_161 = arith.constant 10000 : i32
          %mul3A_162 = arith.muli %arg1, %mul3A_161 : i32
          %mul3A_163 = arith.constant 176 : i32
          %mul3A_164 = arith.muli %add3A_160, %mul3A_163 : i32
          %add3A_165 = arith.addi %mul3A_162, %mul3A_164 : i32
          %dma_wait3A_166 = tpu.memref_slice %arg2[%add3A_165] : memref<160000xi32, #tpu.memory_space<hbm>> -> memref<176xi32, #tpu.memory_space<hbm>>
          %dma_wait3A_167 = tpu.memref_slice %arg2[%add3A_165] : memref<160000xi32, #tpu.memory_space<hbm>> -> memref<176xi32, #tpu.memory_space<hbm>>
          tpu.wait_dma2 semaphore(%arg25 : memref<!tpu.dma_semaphore, #tpu.memory_space<semaphore_mem>>) src(%dma_wait3A_167 : memref<176xi32, #tpu.memory_space<hbm>>) dst(%arg10 : memref<176xi32, #tpu.memory_space<vmem>>)
          %dma_wait3A_168 = tpu.memref_slice %arg3[%add3A_165] : memref<160000xi32, #tpu.memory_space<hbm>> -> memref<176xi32, #tpu.memory_space<hbm>>
          %dma_wait3A_169 = tpu.memref_slice %arg3[%add3A_165] : memref<160000xi32, #tpu.memory_space<hbm>> -> memref<176xi32, #tpu.memory_space<hbm>>
          tpu.wait_dma2 semaphore(%arg25 : memref<!tpu.dma_semaphore, #tpu.memory_space<semaphore_mem>>) src(%dma_wait3A_169 : memref<176xi32, #tpu.memory_space<hbm>>) dst(%arg14 : memref<176xi32, #tpu.memory_space<vmem>>)
          %dma_start3A_170 = arith.constant 0 : i32
          %dma_start3A_171 = arith.constant 0 : i32
          %dma_start3A_172 = tpu.memref_slice %arg4[%dma_start3A_170, %dma_start3A_171] : memref<10000x128xf32, #tpu.memory_space<hbm>> -> memref<10000x128xf32, #tpu.memory_space<hbm>>
          tpu.enqueue_indirect_dma source(%dma_start3A_172 : memref<10000x128xf32, #tpu.memory_space<hbm>>) target(%arg18 : memref<176x128xf32, #tpu.memory_space<vmem>>) offsets(%arg10 : memref<176xi32, #tpu.memory_space<vmem>>) semaphore(%arg23 : memref<!tpu.dma_semaphore, #tpu.memory_space<semaphore_mem>>)
        } else {
        }
        %dma_wait3A_93 = arith.constant 0 : i32
        %dma_wait3A_94 = arith.constant 0 : i32
        %dma_wait3A_95 = tpu.memref_slice %arg4[%dma_wait3A_93, %dma_wait3A_94] : memref<10000x128xf32, #tpu.memory_space<hbm>> -> memref<10000x128xf32, #tpu.memory_space<hbm>>
        tpu.wait_indirect_dma semaphore(%arg22 : memref<!tpu.dma_semaphore, #tpu.memory_space<semaphore_mem>>) src(%dma_wait3A_95 : memref<10000x128xf32, #tpu.memory_space<hbm>>) dst(%arg17 : memref<176x128xf32, #tpu.memory_space<vmem>>)
        "tpu.region"() ({
          %run_scoped3A = tpu.sem_alloc : memref<!tpu.dma_semaphore, #tpu.memory_space<semaphore_mem>>
          %dma_start3A_159 = arith.constant 0 : i32
          %dma_start3A_160 = arith.constant 0 : i32
          %dma_start3A_161 = tpu.memref_slice %arg21[%dma_start3A_159, %dma_start3A_160] : memref<10000x128xf32, #tpu.memory_space<vmem_shared>> -> memref<10000x128xf32, #tpu.memory_space<vmem_shared>>
          tpu.enqueue_indirect_dma source(%arg17 : memref<176x128xf32, #tpu.memory_space<vmem>>) target(%dma_start3A_161 : memref<10000x128xf32, #tpu.memory_space<vmem_shared>>) offsets(%arg13 : memref<176xi32, #tpu.memory_space<vmem>>) semaphore(%run_scoped3A : memref<!tpu.dma_semaphore, #tpu.memory_space<semaphore_mem>>) {add = true}
          %dma_wait3A_162 = arith.constant 0 : i32
          %dma_wait3A_163 = arith.constant 0 : i32
          %dma_wait3A_164 = tpu.memref_slice %arg21[%dma_wait3A_162, %dma_wait3A_163] : memref<10000x128xf32, #tpu.memory_space<vmem_shared>> -> memref<10000x128xf32, #tpu.memory_space<vmem_shared>>
          tpu.wait_indirect_dma semaphore(%run_scoped3A : memref<!tpu.dma_semaphore, #tpu.memory_space<semaphore_mem>>) src(%arg17 : memref<176x128xf32, #tpu.memory_space<vmem>>) dst(%dma_wait3A_164 : memref<10000x128xf32, #tpu.memory_space<vmem_shared>>)
          tpu.yield
        }) : () -> ()
        %mul3A_96 = arith.constant 4 : i32
        %mul3A_97 = arith.muli %mul3A_96, %add3A_74 : i32
        %add3A_98 = arith.constant 1 : i32
        %add3A_99 = arith.addi %mul3A_97, %add3A_98 : i32
        %add3A_100 = arith.constant 2 : i32
        %add3A_101 = arith.addi %add3A_99, %add3A_100 : i32
        %lt3A_102 = arith.constant 56 : i32
        %lt3A_103 = arith.cmpi slt, %add3A_101, %lt3A_102 : i32
        %convert_element_type3A_104 = arith.extui %lt3A_103 : i1 to i32
        %cond3A_105 = arith.constant 0 : i32
        %cond3A_106 = arith.cmpi ne, %convert_element_type3A_104, %cond3A_105 : i32
        scf.if %cond3A_106 {
          %add3A_159 = arith.constant 2 : i32
          %add3A_160 = arith.addi %add3A_99, %add3A_159 : i32
          %mul3A_161 = arith.constant 10000 : i32
          %mul3A_162 = arith.muli %arg1, %mul3A_161 : i32
          %mul3A_163 = arith.constant 176 : i32
          %mul3A_164 = arith.muli %add3A_160, %mul3A_163 : i32
          %add3A_165 = arith.addi %mul3A_162, %mul3A_164 : i32
          %dma_start3A_166 = tpu.memref_slice %arg2[%add3A_165] : memref<160000xi32, #tpu.memory_space<hbm>> -> memref<176xi32, #tpu.memory_space<hbm>>
          %dma_start3A_167 = tpu.memref_slice %arg2[%add3A_165] : memref<160000xi32, #tpu.memory_space<hbm>> -> memref<176xi32, #tpu.memory_space<hbm>>
          tpu.enqueue_dma source(%dma_start3A_167 : memref<176xi32, #tpu.memory_space<hbm>>) target(%arg12 : memref<176xi32, #tpu.memory_space<vmem>>) target_semaphore(%arg27 : memref<!tpu.dma_semaphore, #tpu.memory_space<semaphore_mem>>)
          %dma_start3A_168 = tpu.memref_slice %arg3[%add3A_165] : memref<160000xi32, #tpu.memory_space<hbm>> -> memref<176xi32, #tpu.memory_space<hbm>>
          %dma_start3A_169 = tpu.memref_slice %arg3[%add3A_165] : memref<160000xi32, #tpu.memory_space<hbm>> -> memref<176xi32, #tpu.memory_space<hbm>>
          tpu.enqueue_dma source(%dma_start3A_169 : memref<176xi32, #tpu.memory_space<hbm>>) target(%arg16 : memref<176xi32, #tpu.memory_space<vmem>>) target_semaphore(%arg27 : memref<!tpu.dma_semaphore, #tpu.memory_space<semaphore_mem>>)
        } else {
        }
        %add3A_107 = arith.constant 1 : i32
        %add3A_108 = arith.addi %add3A_99, %add3A_107 : i32
        %lt3A_109 = arith.constant 56 : i32
        %lt3A_110 = arith.cmpi slt, %add3A_108, %lt3A_109 : i32
        %convert_element_type3A_111 = arith.extui %lt3A_110 : i1 to i32
        %cond3A_112 = arith.constant 0 : i32
        %cond3A_113 = arith.cmpi ne, %convert_element_type3A_111, %cond3A_112 : i32
        scf.if %cond3A_113 {
          %add3A_159 = arith.constant 1 : i32
          %add3A_160 = arith.addi %add3A_99, %add3A_159 : i32
          %mul3A_161 = arith.constant 10000 : i32
          %mul3A_162 = arith.muli %arg1, %mul3A_161 : i32
          %mul3A_163 = arith.constant 176 : i32
          %mul3A_164 = arith.muli %add3A_160, %mul3A_163 : i32
          %add3A_165 = arith.addi %mul3A_162, %mul3A_164 : i32
          %dma_wait3A_166 = tpu.memref_slice %arg2[%add3A_165] : memref<160000xi32, #tpu.memory_space<hbm>> -> memref<176xi32, #tpu.memory_space<hbm>>
          %dma_wait3A_167 = tpu.memref_slice %arg2[%add3A_165] : memref<160000xi32, #tpu.memory_space<hbm>> -> memref<176xi32, #tpu.memory_space<hbm>>
          tpu.wait_dma2 semaphore(%arg26 : memref<!tpu.dma_semaphore, #tpu.memory_space<semaphore_mem>>) src(%dma_wait3A_167 : memref<176xi32, #tpu.memory_space<hbm>>) dst(%arg11 : memref<176xi32, #tpu.memory_space<vmem>>)
          %dma_wait3A_168 = tpu.memref_slice %arg3[%add3A_165] : memref<160000xi32, #tpu.memory_space<hbm>> -> memref<176xi32, #tpu.memory_space<hbm>>
          %dma_wait3A_169 = tpu.memref_slice %arg3[%add3A_165] : memref<160000xi32, #tpu.memory_space<hbm>> -> memref<176xi32, #tpu.memory_space<hbm>>
          tpu.wait_dma2 semaphore(%arg26 : memref<!tpu.dma_semaphore, #tpu.memory_space<semaphore_mem>>) src(%dma_wait3A_169 : memref<176xi32, #tpu.memory_space<hbm>>) dst(%arg15 : memref<176xi32, #tpu.memory_space<vmem>>)
          %dma_start3A_170 = arith.constant 0 : i32
          %dma_start3A_171 = arith.constant 0 : i32
          %dma_start3A_172 = tpu.memref_slice %arg4[%dma_start3A_170, %dma_start3A_171] : memref<10000x128xf32, #tpu.memory_space<hbm>> -> memref<10000x128xf32, #tpu.memory_space<hbm>>
          tpu.enqueue_indirect_dma source(%dma_start3A_172 : memref<10000x128xf32, #tpu.memory_space<hbm>>) target(%arg17 : memref<176x128xf32, #tpu.memory_space<vmem>>) offsets(%arg11 : memref<176xi32, #tpu.memory_space<vmem>>) semaphore(%arg22 : memref<!tpu.dma_semaphore, #tpu.memory_space<semaphore_mem>>)
        } else {
        }
        %dma_wait3A_114 = arith.constant 0 : i32
        %dma_wait3A_115 = arith.constant 0 : i32
        %dma_wait3A_116 = tpu.memref_slice %arg4[%dma_wait3A_114, %dma_wait3A_115] : memref<10000x128xf32, #tpu.memory_space<hbm>> -> memref<10000x128xf32, #tpu.memory_space<hbm>>
        tpu.wait_indirect_dma semaphore(%arg23 : memref<!tpu.dma_semaphore, #tpu.memory_space<semaphore_mem>>) src(%dma_wait3A_116 : memref<10000x128xf32, #tpu.memory_space<hbm>>) dst(%arg18 : memref<176x128xf32, #tpu.memory_space<vmem>>)
        "tpu.region"() ({
          %run_scoped3A = tpu.sem_alloc : memref<!tpu.dma_semaphore, #tpu.memory_space<semaphore_mem>>
          %dma_start3A_159 = arith.constant 0 : i32
          %dma_start3A_160 = arith.constant 0 : i32
          %dma_start3A_161 = tpu.memref_slice %arg21[%dma_start3A_159, %dma_start3A_160] : memref<10000x128xf32, #tpu.memory_space<vmem_shared>> -> memref<10000x128xf32, #tpu.memory_space<vmem_shared>>
          tpu.enqueue_indirect_dma source(%arg18 : memref<176x128xf32, #tpu.memory_space<vmem>>) target(%dma_start3A_161 : memref<10000x128xf32, #tpu.memory_space<vmem_shared>>) offsets(%arg14 : memref<176xi32, #tpu.memory_space<vmem>>) semaphore(%run_scoped3A : memref<!tpu.dma_semaphore, #tpu.memory_space<semaphore_mem>>) {add = true}
          %dma_wait3A_162 = arith.constant 0 : i32
          %dma_wait3A_163 = arith.constant 0 : i32
          %dma_wait3A_164 = tpu.memref_slice %arg21[%dma_wait3A_162, %dma_wait3A_163] : memref<10000x128xf32, #tpu.memory_space<vmem_shared>> -> memref<10000x128xf32, #tpu.memory_space<vmem_shared>>
          tpu.wait_indirect_dma semaphore(%run_scoped3A : memref<!tpu.dma_semaphore, #tpu.memory_space<semaphore_mem>>) src(%arg18 : memref<176x128xf32, #tpu.memory_space<vmem>>) dst(%dma_wait3A_164 : memref<10000x128xf32, #tpu.memory_space<vmem_shared>>)
          tpu.yield
        }) : () -> ()
        %mul3A_117 = arith.constant 4 : i32
        %mul3A_118 = arith.muli %mul3A_117, %add3A_74 : i32
        %add3A_119 = arith.constant 2 : i32
        %add3A_120 = arith.addi %mul3A_118, %add3A_119 : i32
        %add3A_121 = arith.constant 2 : i32
        %add3A_122 = arith.addi %add3A_120, %add3A_121 : i32
        %lt3A_123 = arith.constant 56 : i32
        %lt3A_124 = arith.cmpi slt, %add3A_122, %lt3A_123 : i32
        %convert_element_type3A_125 = arith.extui %lt3A_124 : i1 to i32
        %cond3A_126 = arith.constant 0 : i32
        %cond3A_127 = arith.cmpi ne, %convert_element_type3A_125, %cond3A_126 : i32
        scf.if %cond3A_127 {
          %add3A_159 = arith.constant 2 : i32
          %add3A_160 = arith.addi %add3A_120, %add3A_159 : i32
          %mul3A_161 = arith.constant 10000 : i32
          %mul3A_162 = arith.muli %arg1, %mul3A_161 : i32
          %mul3A_163 = arith.constant 176 : i32
          %mul3A_164 = arith.muli %add3A_160, %mul3A_163 : i32
          %add3A_165 = arith.addi %mul3A_162, %mul3A_164 : i32
          %dma_start3A_166 = tpu.memref_slice %arg2[%add3A_165] : memref<160000xi32, #tpu.memory_space<hbm>> -> memref<176xi32, #tpu.memory_space<hbm>>
          %dma_start3A_167 = tpu.memref_slice %arg2[%add3A_165] : memref<160000xi32, #tpu.memory_space<hbm>> -> memref<176xi32, #tpu.memory_space<hbm>>
          tpu.enqueue_dma source(%dma_start3A_167 : memref<176xi32, #tpu.memory_space<hbm>>) target(%arg9 : memref<176xi32, #tpu.memory_space<vmem>>) target_semaphore(%arg24 : memref<!tpu.dma_semaphore, #tpu.memory_space<semaphore_mem>>)
          %dma_start3A_168 = tpu.memref_slice %arg3[%add3A_165] : memref<160000xi32, #tpu.memory_space<hbm>> -> memref<176xi32, #tpu.memory_space<hbm>>
          %dma_start3A_169 = tpu.memref_slice %arg3[%add3A_165] : memref<160000xi32, #tpu.memory_space<hbm>> -> memref<176xi32, #tpu.memory_space<hbm>>
          tpu.enqueue_dma source(%dma_start3A_169 : memref<176xi32, #tpu.memory_space<hbm>>) target(%arg13 : memref<176xi32, #tpu.memory_space<vmem>>) target_semaphore(%arg24 : memref<!tpu.dma_semaphore, #tpu.memory_space<semaphore_mem>>)
        } else {
        }
        %add3A_128 = arith.constant 1 : i32
        %add3A_129 = arith.addi %add3A_120, %add3A_128 : i32
        %lt3A_130 = arith.constant 56 : i32
        %lt3A_131 = arith.cmpi slt, %add3A_129, %lt3A_130 : i32
        %convert_element_type3A_132 = arith.extui %lt3A_131 : i1 to i32
        %cond3A_133 = arith.constant 0 : i32
        %cond3A_134 = arith.cmpi ne, %convert_element_type3A_132, %cond3A_133 : i32
        scf.if %cond3A_134 {
          %add3A_159 = arith.constant 1 : i32
          %add3A_160 = arith.addi %add3A_120, %add3A_159 : i32
          %mul3A_161 = arith.constant 10000 : i32
          %mul3A_162 = arith.muli %arg1, %mul3A_161 : i32
          %mul3A_163 = arith.constant 176 : i32
          %mul3A_164 = arith.muli %add3A_160, %mul3A_163 : i32
          %add3A_165 = arith.addi %mul3A_162, %mul3A_164 : i32
          %dma_wait3A_166 = tpu.memref_slice %arg2[%add3A_165] : memref<160000xi32, #tpu.memory_space<hbm>> -> memref<176xi32, #tpu.memory_space<hbm>>
          %dma_wait3A_167 = tpu.memref_slice %arg2[%add3A_165] : memref<160000xi32, #tpu.memory_space<hbm>> -> memref<176xi32, #tpu.memory_space<hbm>>
          tpu.wait_dma2 semaphore(%arg27 : memref<!tpu.dma_semaphore, #tpu.memory_space<semaphore_mem>>) src(%dma_wait3A_167 : memref<176xi32, #tpu.memory_space<hbm>>) dst(%arg12 : memref<176xi32, #tpu.memory_space<vmem>>)
          %dma_wait3A_168 = tpu.memref_slice %arg3[%add3A_165] : memref<160000xi32, #tpu.memory_space<hbm>> -> memref<176xi32, #tpu.memory_space<hbm>>
          %dma_wait3A_169 = tpu.memref_slice %arg3[%add3A_165] : memref<160000xi32, #tpu.memory_space<hbm>> -> memref<176xi32, #tpu.memory_space<hbm>>
          tpu.wait_dma2 semaphore(%arg27 : memref<!tpu.dma_semaphore, #tpu.memory_space<semaphore_mem>>) src(%dma_wait3A_169 : memref<176xi32, #tpu.memory_space<hbm>>) dst(%arg16 : memref<176xi32, #tpu.memory_space<vmem>>)
          %dma_start3A_170 = arith.constant 0 : i32
          %dma_start3A_171 = arith.constant 0 : i32
          %dma_start3A_172 = tpu.memref_slice %arg4[%dma_start3A_170, %dma_start3A_171] : memref<10000x128xf32, #tpu.memory_space<hbm>> -> memref<10000x128xf32, #tpu.memory_space<hbm>>
          tpu.enqueue_indirect_dma source(%dma_start3A_172 : memref<10000x128xf32, #tpu.memory_space<hbm>>) target(%arg18 : memref<176x128xf32, #tpu.memory_space<vmem>>) offsets(%arg12 : memref<176xi32, #tpu.memory_space<vmem>>) semaphore(%arg23 : memref<!tpu.dma_semaphore, #tpu.memory_space<semaphore_mem>>)
        } else {
        }
        %dma_wait3A_135 = arith.constant 0 : i32
        %dma_wait3A_136 = arith.constant 0 : i32
        %dma_wait3A_137 = tpu.memref_slice %arg4[%dma_wait3A_135, %dma_wait3A_136] : memref<10000x128xf32, #tpu.memory_space<hbm>> -> memref<10000x128xf32, #tpu.memory_space<hbm>>
        tpu.wait_indirect_dma semaphore(%arg22 : memref<!tpu.dma_semaphore, #tpu.memory_space<semaphore_mem>>) src(%dma_wait3A_137 : memref<10000x128xf32, #tpu.memory_space<hbm>>) dst(%arg17 : memref<176x128xf32, #tpu.memory_space<vmem>>)
        "tpu.region"() ({
          %run_scoped3A = tpu.sem_alloc : memref<!tpu.dma_semaphore, #tpu.memory_space<semaphore_mem>>
          %dma_start3A_159 = arith.constant 0 : i32
          %dma_start3A_160 = arith.constant 0 : i32
          %dma_start3A_161 = tpu.memref_slice %arg21[%dma_start3A_159, %dma_start3A_160] : memref<10000x128xf32, #tpu.memory_space<vmem_shared>> -> memref<10000x128xf32, #tpu.memory_space<vmem_shared>>
          tpu.enqueue_indirect_dma source(%arg17 : memref<176x128xf32, #tpu.memory_space<vmem>>) target(%dma_start3A_161 : memref<10000x128xf32, #tpu.memory_space<vmem_shared>>) offsets(%arg15 : memref<176xi32, #tpu.memory_space<vmem>>) semaphore(%run_scoped3A : memref<!tpu.dma_semaphore, #tpu.memory_space<semaphore_mem>>) {add = true}
          %dma_wait3A_162 = arith.constant 0 : i32
          %dma_wait3A_163 = arith.constant 0 : i32
          %dma_wait3A_164 = tpu.memref_slice %arg21[%dma_wait3A_162, %dma_wait3A_163] : memref<10000x128xf32, #tpu.memory_space<vmem_shared>> -> memref<10000x128xf32, #tpu.memory_space<vmem_shared>>
          tpu.wait_indirect_dma semaphore(%run_scoped3A : memref<!tpu.dma_semaphore, #tpu.memory_space<semaphore_mem>>) src(%arg17 : memref<176x128xf32, #tpu.memory_space<vmem>>) dst(%dma_wait3A_164 : memref<10000x128xf32, #tpu.memory_space<vmem_shared>>)
          tpu.yield
        }) : () -> ()
        %mul3A_138 = arith.constant 4 : i32
        %mul3A_139 = arith.muli %mul3A_138, %add3A_74 : i32
        %add3A_140 = arith.constant 3 : i32
        %add3A_141 = arith.addi %mul3A_139, %add3A_140 : i32
        %add3A_142 = arith.constant 2 : i32
        %add3A_143 = arith.addi %add3A_141, %add3A_142 : i32
        %lt3A_144 = arith.constant 56 : i32
        %lt3A_145 = arith.cmpi slt, %add3A_143, %lt3A_144 : i32
        %convert_element_type3A_146 = arith.extui %lt3A_145 : i1 to i32
        %cond3A_147 = arith.constant 0 : i32
        %cond3A_148 = arith.cmpi ne, %convert_element_type3A_146, %cond3A_147 : i32
        scf.if %cond3A_148 {
          %add3A_159 = arith.constant 2 : i32
          %add3A_160 = arith.addi %add3A_141, %add3A_159 : i32
          %mul3A_161 = arith.constant 10000 : i32
          %mul3A_162 = arith.muli %arg1, %mul3A_161 : i32
          %mul3A_163 = arith.constant 176 : i32
          %mul3A_164 = arith.muli %add3A_160, %mul3A_163 : i32
          %add3A_165 = arith.addi %mul3A_162, %mul3A_164 : i32
          %dma_start3A_166 = tpu.memref_slice %arg2[%add3A_165] : memref<160000xi32, #tpu.memory_space<hbm>> -> memref<176xi32, #tpu.memory_space<hbm>>
          %dma_start3A_167 = tpu.memref_slice %arg2[%add3A_165] : memref<160000xi32, #tpu.memory_space<hbm>> -> memref<176xi32, #tpu.memory_space<hbm>>
          tpu.enqueue_dma source(%dma_start3A_167 : memref<176xi32, #tpu.memory_space<hbm>>) target(%arg10 : memref<176xi32, #tpu.memory_space<vmem>>) target_semaphore(%arg25 : memref<!tpu.dma_semaphore, #tpu.memory_space<semaphore_mem>>)
          %dma_start3A_168 = tpu.memref_slice %arg3[%add3A_165] : memref<160000xi32, #tpu.memory_space<hbm>> -> memref<176xi32, #tpu.memory_space<hbm>>
          %dma_start3A_169 = tpu.memref_slice %arg3[%add3A_165] : memref<160000xi32, #tpu.memory_space<hbm>> -> memref<176xi32, #tpu.memory_space<hbm>>
          tpu.enqueue_dma source(%dma_start3A_169 : memref<176xi32, #tpu.memory_space<hbm>>) target(%arg14 : memref<176xi32, #tpu.memory_space<vmem>>) target_semaphore(%arg25 : memref<!tpu.dma_semaphore, #tpu.memory_space<semaphore_mem>>)
        } else {
        }
        %add3A_149 = arith.constant 1 : i32
        %add3A_150 = arith.addi %add3A_141, %add3A_149 : i32
        %lt3A_151 = arith.constant 56 : i32
        %lt3A_152 = arith.cmpi slt, %add3A_150, %lt3A_151 : i32
        %convert_element_type3A_153 = arith.extui %lt3A_152 : i1 to i32
        %cond3A_154 = arith.constant 0 : i32
        %cond3A_155 = arith.cmpi ne, %convert_element_type3A_153, %cond3A_154 : i32
        scf.if %cond3A_155 {
          %add3A_159 = arith.constant 1 : i32
          %add3A_160 = arith.addi %add3A_141, %add3A_159 : i32
          %mul3A_161 = arith.constant 10000 : i32
          %mul3A_162 = arith.muli %arg1, %mul3A_161 : i32
          %mul3A_163 = arith.constant 176 : i32
          %mul3A_164 = arith.muli %add3A_160, %mul3A_163 : i32
          %add3A_165 = arith.addi %mul3A_162, %mul3A_164 : i32
          %dma_wait3A_166 = tpu.memref_slice %arg2[%add3A_165] : memref<160000xi32, #tpu.memory_space<hbm>> -> memref<176xi32, #tpu.memory_space<hbm>>
          %dma_wait3A_167 = tpu.memref_slice %arg2[%add3A_165] : memref<160000xi32, #tpu.memory_space<hbm>> -> memref<176xi32, #tpu.memory_space<hbm>>
          tpu.wait_dma2 semaphore(%arg24 : memref<!tpu.dma_semaphore, #tpu.memory_space<semaphore_mem>>) src(%dma_wait3A_167 : memref<176xi32, #tpu.memory_space<hbm>>) dst(%arg9 : memref<176xi32, #tpu.memory_space<vmem>>)
          %dma_wait3A_168 = tpu.memref_slice %arg3[%add3A_165] : memref<160000xi32, #tpu.memory_space<hbm>> -> memref<176xi32, #tpu.memory_space<hbm>>
          %dma_wait3A_169 = tpu.memref_slice %arg3[%add3A_165] : memref<160000xi32, #tpu.memory_space<hbm>> -> memref<176xi32, #tpu.memory_space<hbm>>
          tpu.wait_dma2 semaphore(%arg24 : memref<!tpu.dma_semaphore, #tpu.memory_space<semaphore_mem>>) src(%dma_wait3A_169 : memref<176xi32, #tpu.memory_space<hbm>>) dst(%arg13 : memref<176xi32, #tpu.memory_space<vmem>>)
          %dma_start3A_170 = arith.constant 0 : i32
          %dma_start3A_171 = arith.constant 0 : i32
          %dma_start3A_172 = tpu.memref_slice %arg4[%dma_start3A_170, %dma_start3A_171] : memref<10000x128xf32, #tpu.memory_space<hbm>> -> memref<10000x128xf32, #tpu.memory_space<hbm>>
          tpu.enqueue_indirect_dma source(%dma_start3A_172 : memref<10000x128xf32, #tpu.memory_space<hbm>>) target(%arg17 : memref<176x128xf32, #tpu.memory_space<vmem>>) offsets(%arg9 : memref<176xi32, #tpu.memory_space<vmem>>) semaphore(%arg22 : memref<!tpu.dma_semaphore, #tpu.memory_space<semaphore_mem>>)
        } else {
        }
        %dma_wait3A_156 = arith.constant 0 : i32
        %dma_wait3A_157 = arith.constant 0 : i32
        %dma_wait3A_158 = tpu.memref_slice %arg4[%dma_wait3A_156, %dma_wait3A_157] : memref<10000x128xf32, #tpu.memory_space<hbm>> -> memref<10000x128xf32, #tpu.memory_space<hbm>>
        tpu.wait_indirect_dma semaphore(%arg23 : memref<!tpu.dma_semaphore, #tpu.memory_space<semaphore_mem>>) src(%dma_wait3A_158 : memref<10000x128xf32, #tpu.memory_space<hbm>>) dst(%arg18 : memref<176x128xf32, #tpu.memory_space<vmem>>)
        "tpu.region"() ({
          %run_scoped3A = tpu.sem_alloc : memref<!tpu.dma_semaphore, #tpu.memory_space<semaphore_mem>>
          %dma_start3A_159 = arith.constant 0 : i32
          %dma_start3A_160 = arith.constant 0 : i32
          %dma_start3A_161 = tpu.memref_slice %arg21[%dma_start3A_159, %dma_start3A_160] : memref<10000x128xf32, #tpu.memory_space<vmem_shared>> -> memref<10000x128xf32, #tpu.memory_space<vmem_shared>>
          tpu.enqueue_indirect_dma source(%arg18 : memref<176x128xf32, #tpu.memory_space<vmem>>) target(%dma_start3A_161 : memref<10000x128xf32, #tpu.memory_space<vmem_shared>>) offsets(%arg16 : memref<176xi32, #tpu.memory_space<vmem>>) semaphore(%run_scoped3A : memref<!tpu.dma_semaphore, #tpu.memory_space<semaphore_mem>>) {add = true}
          %dma_wait3A_162 = arith.constant 0 : i32
          %dma_wait3A_163 = arith.constant 0 : i32
          %dma_wait3A_164 = tpu.memref_slice %arg21[%dma_wait3A_162, %dma_wait3A_163] : memref<10000x128xf32, #tpu.memory_space<vmem_shared>> -> memref<10000x128xf32, #tpu.memory_space<vmem_shared>>
          tpu.wait_indirect_dma semaphore(%run_scoped3A : memref<!tpu.dma_semaphore, #tpu.memory_space<semaphore_mem>>) src(%arg18 : memref<176x128xf32, #tpu.memory_space<vmem>>) dst(%dma_wait3A_164 : memref<10000x128xf32, #tpu.memory_space<vmem_shared>>)
          tpu.yield
        }) : () -> ()
      }
      %scan3A_42 = arith.constant 14 : i32
      %mul3A_43 = arith.constant 10000 : i32
      %mul3A_44 = arith.muli %arg1, %mul3A_43 : i32
      %add3A_45 = arith.constant 9856 : i32
      %add3A_46 = arith.addi %mul3A_44, %add3A_45 : i32
      "tpu.region"() ({
        %run_scoped3A = tpu.sem_alloc : memref<!tpu.dma_semaphore, #tpu.memory_space<semaphore_mem>>
        %dma_start3A_70 = tpu.memref_slice %arg2[%add3A_46] : memref<160000xi32, #tpu.memory_space<hbm>> -> memref<144xi32, #tpu.memory_space<hbm>>
        %dma_start3A_71 = tpu.memref_slice %arg2[%add3A_46] : memref<160000xi32, #tpu.memory_space<hbm>> -> memref<144xi32, #tpu.memory_space<hbm>>
        tpu.enqueue_dma source(%dma_start3A_71 : memref<144xi32, #tpu.memory_space<hbm>>) target(%arg19 : memref<144xi32, #tpu.memory_space<vmem>>) target_semaphore(%run_scoped3A : memref<!tpu.dma_semaphore, #tpu.memory_space<semaphore_mem>>)
        %dma_wait3A_72 = tpu.memref_slice %arg2[%add3A_46] : memref<160000xi32, #tpu.memory_space<hbm>> -> memref<144xi32, #tpu.memory_space<hbm>>
        %dma_wait3A_73 = tpu.memref_slice %arg2[%add3A_46] : memref<160000xi32, #tpu.memory_space<hbm>> -> memref<144xi32, #tpu.memory_space<hbm>>
        tpu.wait_dma2 semaphore(%run_scoped3A : memref<!tpu.dma_semaphore, #tpu.memory_space<semaphore_mem>>) src(%dma_wait3A_73 : memref<144xi32, #tpu.memory_space<hbm>>) dst(%arg19 : memref<144xi32, #tpu.memory_space<vmem>>)
        tpu.yield
      }) : () -> ()
      "tpu.region"() ({
        %run_scoped3A = tpu.sem_alloc : memref<!tpu.dma_semaphore, #tpu.memory_space<semaphore_mem>>
        %dma_start3A_70 = tpu.memref_slice %arg3[%add3A_46] : memref<160000xi32, #tpu.memory_space<hbm>> -> memref<144xi32, #tpu.memory_space<hbm>>
        %dma_start3A_71 = tpu.memref_slice %arg3[%add3A_46] : memref<160000xi32, #tpu.memory_space<hbm>> -> memref<144xi32, #tpu.memory_space<hbm>>
        tpu.enqueue_dma source(%dma_start3A_71 : memref<144xi32, #tpu.memory_space<hbm>>) target(%arg20 : memref<144xi32, #tpu.memory_space<vmem>>) target_semaphore(%run_scoped3A : memref<!tpu.dma_semaphore, #tpu.memory_space<semaphore_mem>>)
        %dma_wait3A_72 = tpu.memref_slice %arg3[%add3A_46] : memref<160000xi32, #tpu.memory_space<hbm>> -> memref<144xi32, #tpu.memory_space<hbm>>
        %dma_wait3A_73 = tpu.memref_slice %arg3[%add3A_46] : memref<160000xi32, #tpu.memory_space<hbm>> -> memref<144xi32, #tpu.memory_space<hbm>>
        tpu.wait_dma2 semaphore(%run_scoped3A : memref<!tpu.dma_semaphore, #tpu.memory_space<semaphore_mem>>) src(%dma_wait3A_73 : memref<144xi32, #tpu.memory_space<hbm>>) dst(%arg20 : memref<144xi32, #tpu.memory_space<vmem>>)
        tpu.yield
      }) : () -> ()
      %dma_start3A_47 = arith.constant 0 : i32
      %dma_start3A_48 = arith.constant 0 : i32
      %dma_start3A_49 = tpu.memref_slice %arg17[%dma_start3A_47, %dma_start3A_48] : memref<176x128xf32, #tpu.memory_space<vmem>> -> memref<144x128xf32, #tpu.memory_space<vmem>>
      %dma_start3A_50 = arith.constant 0 : i32
      %dma_start3A_51 = arith.constant 0 : i32
      %dma_start3A_52 = tpu.memref_slice %arg4[%dma_start3A_50, %dma_start3A_51] : memref<10000x128xf32, #tpu.memory_space<hbm>> -> memref<10000x128xf32, #tpu.memory_space<hbm>>
      tpu.enqueue_indirect_dma source(%dma_start3A_52 : memref<10000x128xf32, #tpu.memory_space<hbm>>) target(%dma_start3A_49 : memref<144x128xf32, #tpu.memory_space<vmem>>) offsets(%arg19 : memref<144xi32, #tpu.memory_space<vmem>>) semaphore(%arg22 : memref<!tpu.dma_semaphore, #tpu.memory_space<semaphore_mem>>)
      %dma_wait3A_53 = arith.constant 0 : i32
      %dma_wait3A_54 = arith.constant 0 : i32
      %dma_wait3A_55 = tpu.memref_slice %arg17[%dma_wait3A_53, %dma_wait3A_54] : memref<176x128xf32, #tpu.memory_space<vmem>> -> memref<144x128xf32, #tpu.memory_space<vmem>>
      %dma_wait3A_56 = arith.constant 0 : i32
      %dma_wait3A_57 = arith.constant 0 : i32
      %dma_wait3A_58 = tpu.memref_slice %arg4[%dma_wait3A_56, %dma_wait3A_57] : memref<10000x128xf32, #tpu.memory_space<hbm>> -> memref<10000x128xf32, #tpu.memory_space<hbm>>
      tpu.wait_indirect_dma semaphore(%arg22 : memref<!tpu.dma_semaphore, #tpu.memory_space<semaphore_mem>>) src(%dma_wait3A_58 : memref<10000x128xf32, #tpu.memory_space<hbm>>) dst(%dma_wait3A_55 : memref<144x128xf32, #tpu.memory_space<vmem>>)
      "tpu.region"() ({
        %run_scoped3A = tpu.sem_alloc : memref<!tpu.dma_semaphore, #tpu.memory_space<semaphore_mem>>
        %dma_start3A_70 = arith.constant 0 : i32
        %dma_start3A_71 = arith.constant 0 : i32
        %dma_start3A_72 = tpu.memref_slice %arg17[%dma_start3A_70, %dma_start3A_71] : memref<176x128xf32, #tpu.memory_space<vmem>> -> memref<144x128xf32, #tpu.memory_space<vmem>>
        %dma_start3A_73 = arith.constant 0 : i32
        %dma_start3A_74 = arith.constant 0 : i32
        %dma_start3A_75 = tpu.memref_slice %arg21[%dma_start3A_73, %dma_start3A_74] : memref<10000x128xf32, #tpu.memory_space<vmem_shared>> -> memref<10000x128xf32, #tpu.memory_space<vmem_shared>>
        tpu.enqueue_indirect_dma source(%dma_start3A_72 : memref<144x128xf32, #tpu.memory_space<vmem>>) target(%dma_start3A_75 : memref<10000x128xf32, #tpu.memory_space<vmem_shared>>) offsets(%arg20 : memref<144xi32, #tpu.memory_space<vmem>>) semaphore(%run_scoped3A : memref<!tpu.dma_semaphore, #tpu.memory_space<semaphore_mem>>) {add = true}
        %dma_wait3A_76 = arith.constant 0 : i32
        %dma_wait3A_77 = arith.constant 0 : i32
        %dma_wait3A_78 = tpu.memref_slice %arg17[%dma_wait3A_76, %dma_wait3A_77] : memref<176x128xf32, #tpu.memory_space<vmem>> -> memref<144x128xf32, #tpu.memory_space<vmem>>
        %dma_wait3A_79 = arith.constant 0 : i32
        %dma_wait3A_80 = arith.constant 0 : i32
        %dma_wait3A_81 = tpu.memref_slice %arg21[%dma_wait3A_79, %dma_wait3A_80] : memref<10000x128xf32, #tpu.memory_space<vmem_shared>> -> memref<10000x128xf32, #tpu.memory_space<vmem_shared>>
        tpu.wait_indirect_dma semaphore(%run_scoped3A : memref<!tpu.dma_semaphore, #tpu.memory_space<semaphore_mem>>) src(%dma_wait3A_78 : memref<144x128xf32, #tpu.memory_space<vmem>>) dst(%dma_wait3A_81 : memref<10000x128xf32, #tpu.memory_space<vmem_shared>>)
        tpu.yield
      }) : () -> ()
      %barrier3A_59 = arith.constant 0 : index
      tpu.barrier barrier_id(%barrier3A_59)
      %lt3A_60 = arith.constant 15 : i32
      %lt3A_61 = arith.cmpi slt, %arg1, %lt3A_60 : i32
      %convert_element_type3A_62 = arith.extui %lt3A_61 : i1 to i32
      %cond3A_63 = arith.constant 0 : i32
      %cond3A_64 = arith.cmpi ne, %convert_element_type3A_62, %cond3A_63 : i32
      scf.if %cond3A_64 {
        %mul3A_70 = arith.constant 624 : i32
        %mul3A_71 = arith.muli %arg1, %mul3A_70 : i32
        %mul3A_72 = arith.constant 624 : i32
        %mul3A_73 = arith.muli %arg1, %mul3A_72 : i32
        "tpu.region"() ({
          %run_scoped3A = tpu.sem_alloc : memref<!tpu.dma_semaphore, #tpu.memory_space<semaphore_mem>>
          %dma_start3A_74 = arith.constant 0 : i32
          %dma_start3A_75 = tpu.memref_slice %arg7[%mul3A_73, %dma_start3A_74] : memref<10000x128xf32, #tpu.memory_space<hbm>> -> memref<624x128xf32, #tpu.memory_space<hbm>>
          %dma_start3A_76 = arith.constant 0 : i32
          %dma_start3A_77 = tpu.memref_slice %arg21[%mul3A_71, %dma_start3A_76] : memref<10000x128xf32, #tpu.memory_space<vmem_shared>> -> memref<624x128xf32, #tpu.memory_space<vmem_shared>>
          tpu.enqueue_dma source(%dma_start3A_77 : memref<624x128xf32, #tpu.memory_space<vmem_shared>>) target(%dma_start3A_75 : memref<624x128xf32, #tpu.memory_space<hbm>>) target_semaphore(%run_scoped3A : memref<!tpu.dma_semaphore, #tpu.memory_space<semaphore_mem>>)
          %dma_wait3A_78 = arith.constant 0 : i32
          %dma_wait3A_79 = tpu.memref_slice %arg7[%mul3A_73, %dma_wait3A_78] : memref<10000x128xf32, #tpu.memory_space<hbm>> -> memref<624x128xf32, #tpu.memory_space<hbm>>
          %dma_wait3A_80 = arith.constant 0 : i32
          %dma_wait3A_81 = tpu.memref_slice %arg21[%mul3A_71, %dma_wait3A_80] : memref<10000x128xf32, #tpu.memory_space<vmem_shared>> -> memref<624x128xf32, #tpu.memory_space<vmem_shared>>
          tpu.wait_dma2 semaphore(%run_scoped3A : memref<!tpu.dma_semaphore, #tpu.memory_space<semaphore_mem>>) src(%dma_wait3A_81 : memref<624x128xf32, #tpu.memory_space<vmem_shared>>) dst(%dma_wait3A_79 : memref<624x128xf32, #tpu.memory_space<hbm>>)
          tpu.yield
        }) : () -> ()
      } else {
      }
      %eq3A_65 = arith.constant 15 : i32
      %eq3A_66 = arith.cmpi eq, %arg1, %eq3A_65 : i32
      %convert_element_type3A_67 = arith.extui %eq3A_66 : i1 to i32
      %cond3A_68 = arith.constant 0 : i32
      %cond3A_69 = arith.cmpi ne, %convert_element_type3A_67, %cond3A_68 : i32
      scf.if %cond3A_69 {
        "tpu.region"() ({
          %run_scoped3A = tpu.sem_alloc : memref<!tpu.dma_semaphore, #tpu.memory_space<semaphore_mem>>
          %dma_start3A_70 = arith.constant 9360 : i32
          %dma_start3A_71 = arith.constant 0 : i32
          %dma_start3A_72 = tpu.memref_slice %arg7[%dma_start3A_70, %dma_start3A_71] : memref<10000x128xf32, #tpu.memory_space<hbm>> -> memref<640x128xf32, #tpu.memory_space<hbm>>
          %dma_start3A_73 = arith.constant 9360 : i32
          %dma_start3A_74 = arith.constant 0 : i32
          %dma_start3A_75 = tpu.memref_slice %arg21[%dma_start3A_73, %dma_start3A_74] : memref<10000x128xf32, #tpu.memory_space<vmem_shared>> -> memref<640x128xf32, #tpu.memory_space<vmem_shared>>
          tpu.enqueue_dma source(%dma_start3A_75 : memref<640x128xf32, #tpu.memory_space<vmem_shared>>) target(%dma_start3A_72 : memref<640x128xf32, #tpu.memory_space<hbm>>) target_semaphore(%run_scoped3A : memref<!tpu.dma_semaphore, #tpu.memory_space<semaphore_mem>>)
          %dma_wait3A_76 = arith.constant 9360 : i32
          %dma_wait3A_77 = arith.constant 0 : i32
          %dma_wait3A_78 = tpu.memref_slice %arg7[%dma_wait3A_76, %dma_wait3A_77] : memref<10000x128xf32, #tpu.memory_space<hbm>> -> memref<640x128xf32, #tpu.memory_space<hbm>>
          %dma_wait3A_79 = arith.constant 9360 : i32
          %dma_wait3A_80 = arith.constant 0 : i32
          %dma_wait3A_81 = tpu.memref_slice %arg21[%dma_wait3A_79, %dma_wait3A_80] : memref<10000x128xf32, #tpu.memory_space<vmem_shared>> -> memref<640x128xf32, #tpu.memory_space<vmem_shared>>
          tpu.wait_dma2 semaphore(%run_scoped3A : memref<!tpu.dma_semaphore, #tpu.memory_space<semaphore_mem>>) src(%dma_wait3A_81 : memref<640x128xf32, #tpu.memory_space<vmem_shared>>) dst(%dma_wait3A_78 : memref<640x128xf32, #tpu.memory_space<hbm>>)
          tpu.yield
        }) : () -> ()
      } else {
      }
    } else {
    }
    %eq3A_2 = arith.constant 1 : i32
    %eq3A_3 = arith.cmpi eq, %arg0, %eq3A_2 : i32
    %convert_element_type3A_4 = arith.extui %eq3A_3 : i1 to i32
    %cond3A_5 = arith.constant 0 : i32
    %cond3A_6 = arith.cmpi ne, %convert_element_type3A_4, %cond3A_5 : i32
    scf.if %cond3A_6 {
      %lt3A = arith.constant 15 : i32
      %lt3A_7 = arith.cmpi slt, %arg1, %lt3A : i32
      %convert_element_type3A_8 = arith.extui %lt3A_7 : i1 to i32
      %cond3A_9 = arith.constant 0 : i32
      %cond3A_10 = arith.cmpi ne, %convert_element_type3A_8, %cond3A_9 : i32
      scf.if %cond3A_10 {
        %mul3A_70 = arith.constant 624 : i32
        %mul3A_71 = arith.muli %arg1, %mul3A_70 : i32
        %mul3A_72 = arith.constant 624 : i32
        %mul3A_73 = arith.muli %arg1, %mul3A_72 : i32
        "tpu.region"() ({
          %run_scoped3A = tpu.sem_alloc : memref<!tpu.dma_semaphore, #tpu.memory_space<semaphore_mem>>
          %dma_start3A_74 = arith.constant 0 : i32
          %dma_start3A_75 = tpu.memref_slice %arg21[%mul3A_73, %dma_start3A_74] : memref<10000x128xf32, #tpu.memory_space<vmem_shared>> -> memref<624x128xf32, #tpu.memory_space<vmem_shared>>
          %dma_start3A_76 = arith.constant 0 : i32
          %dma_start3A_77 = tpu.memref_slice %arg6[%mul3A_71, %dma_start3A_76] : memref<10000x128xf32, #tpu.memory_space<hbm>> -> memref<624x128xf32, #tpu.memory_space<hbm>>
          tpu.enqueue_dma source(%dma_start3A_77 : memref<624x128xf32, #tpu.memory_space<hbm>>) target(%dma_start3A_75 : memref<624x128xf32, #tpu.memory_space<vmem_shared>>) target_semaphore(%run_scoped3A : memref<!tpu.dma_semaphore, #tpu.memory_space<semaphore_mem>>)
          %dma_wait3A_78 = arith.constant 0 : i32
          %dma_wait3A_79 = tpu.memref_slice %arg21[%mul3A_73, %dma_wait3A_78] : memref<10000x128xf32, #tpu.memory_space<vmem_shared>> -> memref<624x128xf32, #tpu.memory_space<vmem_shared>>
          %dma_wait3A_80 = arith.constant 0 : i32
          %dma_wait3A_81 = tpu.memref_slice %arg6[%mul3A_71, %dma_wait3A_80] : memref<10000x128xf32, #tpu.memory_space<hbm>> -> memref<624x128xf32, #tpu.memory_space<hbm>>
          tpu.wait_dma2 semaphore(%run_scoped3A : memref<!tpu.dma_semaphore, #tpu.memory_space<semaphore_mem>>) src(%dma_wait3A_81 : memref<624x128xf32, #tpu.memory_space<hbm>>) dst(%dma_wait3A_79 : memref<624x128xf32, #tpu.memory_space<vmem_shared>>)
          tpu.yield
        }) : () -> ()
      } else {
      }
      %eq3A_11 = arith.constant 15 : i32
      %eq3A_12 = arith.cmpi eq, %arg1, %eq3A_11 : i32
      %convert_element_type3A_13 = arith.extui %eq3A_12 : i1 to i32
      %cond3A_14 = arith.constant 0 : i32
      %cond3A_15 = arith.cmpi ne, %convert_element_type3A_13, %cond3A_14 : i32
      scf.if %cond3A_15 {
        "tpu.region"() ({
          %run_scoped3A = tpu.sem_alloc : memref<!tpu.dma_semaphore, #tpu.memory_space<semaphore_mem>>
          %dma_start3A_70 = arith.constant 9360 : i32
          %dma_start3A_71 = arith.constant 0 : i32
          %dma_start3A_72 = tpu.memref_slice %arg21[%dma_start3A_70, %dma_start3A_71] : memref<10000x128xf32, #tpu.memory_space<vmem_shared>> -> memref<640x128xf32, #tpu.memory_space<vmem_shared>>
          %dma_start3A_73 = arith.constant 9360 : i32
          %dma_start3A_74 = arith.constant 0 : i32
          %dma_start3A_75 = tpu.memref_slice %arg6[%dma_start3A_73, %dma_start3A_74] : memref<10000x128xf32, #tpu.memory_space<hbm>> -> memref<640x128xf32, #tpu.memory_space<hbm>>
          tpu.enqueue_dma source(%dma_start3A_75 : memref<640x128xf32, #tpu.memory_space<hbm>>) target(%dma_start3A_72 : memref<640x128xf32, #tpu.memory_space<vmem_shared>>) target_semaphore(%run_scoped3A : memref<!tpu.dma_semaphore, #tpu.memory_space<semaphore_mem>>)
          %dma_wait3A_76 = arith.constant 9360 : i32
          %dma_wait3A_77 = arith.constant 0 : i32
          %dma_wait3A_78 = tpu.memref_slice %arg21[%dma_wait3A_76, %dma_wait3A_77] : memref<10000x128xf32, #tpu.memory_space<vmem_shared>> -> memref<640x128xf32, #tpu.memory_space<vmem_shared>>
          %dma_wait3A_79 = arith.constant 9360 : i32
          %dma_wait3A_80 = arith.constant 0 : i32
          %dma_wait3A_81 = tpu.memref_slice %arg6[%dma_wait3A_79, %dma_wait3A_80] : memref<10000x128xf32, #tpu.memory_space<hbm>> -> memref<640x128xf32, #tpu.memory_space<hbm>>
          tpu.wait_dma2 semaphore(%run_scoped3A : memref<!tpu.dma_semaphore, #tpu.memory_space<semaphore_mem>>) src(%dma_wait3A_81 : memref<640x128xf32, #tpu.memory_space<hbm>>) dst(%dma_wait3A_78 : memref<640x128xf32, #tpu.memory_space<vmem_shared>>)
          tpu.yield
        }) : () -> ()
      } else {
      }
      %barrier3A = arith.constant 0 : index
      tpu.barrier barrier_id(%barrier3A)
      %mul3A = arith.constant 10000 : i32
      %mul3A_16 = arith.muli %arg1, %mul3A : i32
      %add3A = arith.constant 0 : i32
      %add3A_17 = arith.addi %mul3A_16, %add3A : i32
      %dma_start3A = tpu.memref_slice %arg2[%add3A_17] : memref<160000xi32, #tpu.memory_space<hbm>> -> memref<176xi32, #tpu.memory_space<hbm>>
      %dma_start3A_18 = tpu.memref_slice %arg2[%add3A_17] : memref<160000xi32, #tpu.memory_space<hbm>> -> memref<176xi32, #tpu.memory_space<hbm>>
      tpu.enqueue_dma source(%dma_start3A_18 : memref<176xi32, #tpu.memory_space<hbm>>) target(%arg9 : memref<176xi32, #tpu.memory_space<vmem>>) target_semaphore(%arg24 : memref<!tpu.dma_semaphore, #tpu.memory_space<semaphore_mem>>)
      %dma_start3A_19 = tpu.memref_slice %arg3[%add3A_17] : memref<160000xi32, #tpu.memory_space<hbm>> -> memref<176xi32, #tpu.memory_space<hbm>>
      %dma_start3A_20 = tpu.memref_slice %arg3[%add3A_17] : memref<160000xi32, #tpu.memory_space<hbm>> -> memref<176xi32, #tpu.memory_space<hbm>>
      tpu.enqueue_dma source(%dma_start3A_20 : memref<176xi32, #tpu.memory_space<hbm>>) target(%arg13 : memref<176xi32, #tpu.memory_space<vmem>>) target_semaphore(%arg24 : memref<!tpu.dma_semaphore, #tpu.memory_space<semaphore_mem>>)
      %mul3A_21 = arith.constant 10000 : i32
      %mul3A_22 = arith.muli %arg1, %mul3A_21 : i32
      %add3A_23 = arith.constant 176 : i32
      %add3A_24 = arith.addi %mul3A_22, %add3A_23 : i32
      %dma_start3A_25 = tpu.memref_slice %arg2[%add3A_24] : memref<160000xi32, #tpu.memory_space<hbm>> -> memref<176xi32, #tpu.memory_space<hbm>>
      %dma_start3A_26 = tpu.memref_slice %arg2[%add3A_24] : memref<160000xi32, #tpu.memory_space<hbm>> -> memref<176xi32, #tpu.memory_space<hbm>>
      tpu.enqueue_dma source(%dma_start3A_26 : memref<176xi32, #tpu.memory_space<hbm>>) target(%arg10 : memref<176xi32, #tpu.memory_space<vmem>>) target_semaphore(%arg25 : memref<!tpu.dma_semaphore, #tpu.memory_space<semaphore_mem>>)
      %dma_start3A_27 = tpu.memref_slice %arg3[%add3A_24] : memref<160000xi32, #tpu.memory_space<hbm>> -> memref<176xi32, #tpu.memory_space<hbm>>
      %dma_start3A_28 = tpu.memref_slice %arg3[%add3A_24] : memref<160000xi32, #tpu.memory_space<hbm>> -> memref<176xi32, #tpu.memory_space<hbm>>
      tpu.enqueue_dma source(%dma_start3A_28 : memref<176xi32, #tpu.memory_space<hbm>>) target(%arg14 : memref<176xi32, #tpu.memory_space<vmem>>) target_semaphore(%arg25 : memref<!tpu.dma_semaphore, #tpu.memory_space<semaphore_mem>>)
      %mul3A_29 = arith.constant 10000 : i32
      %mul3A_30 = arith.muli %arg1, %mul3A_29 : i32
      %add3A_31 = arith.constant 0 : i32
      %add3A_32 = arith.addi %mul3A_30, %add3A_31 : i32
      %dma_wait3A = tpu.memref_slice %arg2[%add3A_32] : memref<160000xi32, #tpu.memory_space<hbm>> -> memref<176xi32, #tpu.memory_space<hbm>>
      %dma_wait3A_33 = tpu.memref_slice %arg2[%add3A_32] : memref<160000xi32, #tpu.memory_space<hbm>> -> memref<176xi32, #tpu.memory_space<hbm>>
      tpu.wait_dma2 semaphore(%arg24 : memref<!tpu.dma_semaphore, #tpu.memory_space<semaphore_mem>>) src(%dma_wait3A_33 : memref<176xi32, #tpu.memory_space<hbm>>) dst(%arg9 : memref<176xi32, #tpu.memory_space<vmem>>)
      %dma_wait3A_34 = tpu.memref_slice %arg3[%add3A_32] : memref<160000xi32, #tpu.memory_space<hbm>> -> memref<176xi32, #tpu.memory_space<hbm>>
      %dma_wait3A_35 = tpu.memref_slice %arg3[%add3A_32] : memref<160000xi32, #tpu.memory_space<hbm>> -> memref<176xi32, #tpu.memory_space<hbm>>
      tpu.wait_dma2 semaphore(%arg24 : memref<!tpu.dma_semaphore, #tpu.memory_space<semaphore_mem>>) src(%dma_wait3A_35 : memref<176xi32, #tpu.memory_space<hbm>>) dst(%arg13 : memref<176xi32, #tpu.memory_space<vmem>>)
      %dma_start3A_36 = arith.constant 0 : i32
      %dma_start3A_37 = arith.constant 0 : i32
      %dma_start3A_38 = tpu.memref_slice %arg5[%dma_start3A_36, %dma_start3A_37] : memref<10000x128xf32, #tpu.memory_space<hbm>> -> memref<10000x128xf32, #tpu.memory_space<hbm>>
      tpu.enqueue_indirect_dma source(%dma_start3A_38 : memref<10000x128xf32, #tpu.memory_space<hbm>>) target(%arg17 : memref<176x128xf32, #tpu.memory_space<vmem>>) offsets(%arg9 : memref<176xi32, #tpu.memory_space<vmem>>) semaphore(%arg22 : memref<!tpu.dma_semaphore, #tpu.memory_space<semaphore_mem>>)
      %scan3A = arith.constant 0 : i32
      %scan3A_39 = arith.constant 14 : i32
      %scan3A_40 = arith.addi %scan3A, %scan3A_39 : i32
      %scan3A_41 = arith.constant 1 : i32
      scf.for %scan3A_70 = %scan3A to %scan3A_40 step %scan3A_41  : i32 {
        %mul3A_71 = arith.constant 1 : i32
        %mul3A_72 = arith.muli %scan3A_70, %mul3A_71 : i32
        %add3A_73 = arith.constant 0 : i32
        %add3A_74 = arith.addi %add3A_73, %mul3A_72 : i32
        %mul3A_75 = arith.constant 4 : i32
        %mul3A_76 = arith.muli %mul3A_75, %add3A_74 : i32
        %add3A_77 = arith.constant 0 : i32
        %add3A_78 = arith.addi %mul3A_76, %add3A_77 : i32
        %add3A_79 = arith.constant 2 : i32
        %add3A_80 = arith.addi %add3A_78, %add3A_79 : i32
        %lt3A_81 = arith.constant 56 : i32
        %lt3A_82 = arith.cmpi slt, %add3A_80, %lt3A_81 : i32
        %convert_element_type3A_83 = arith.extui %lt3A_82 : i1 to i32
        %cond3A_84 = arith.constant 0 : i32
        %cond3A_85 = arith.cmpi ne, %convert_element_type3A_83, %cond3A_84 : i32
        scf.if %cond3A_85 {
          %add3A_159 = arith.constant 2 : i32
          %add3A_160 = arith.addi %add3A_78, %add3A_159 : i32
          %mul3A_161 = arith.constant 10000 : i32
          %mul3A_162 = arith.muli %arg1, %mul3A_161 : i32
          %mul3A_163 = arith.constant 176 : i32
          %mul3A_164 = arith.muli %add3A_160, %mul3A_163 : i32
          %add3A_165 = arith.addi %mul3A_162, %mul3A_164 : i32
          %dma_start3A_166 = tpu.memref_slice %arg2[%add3A_165] : memref<160000xi32, #tpu.memory_space<hbm>> -> memref<176xi32, #tpu.memory_space<hbm>>
          %dma_start3A_167 = tpu.memref_slice %arg2[%add3A_165] : memref<160000xi32, #tpu.memory_space<hbm>> -> memref<176xi32, #tpu.memory_space<hbm>>
          tpu.enqueue_dma source(%dma_start3A_167 : memref<176xi32, #tpu.memory_space<hbm>>) target(%arg11 : memref<176xi32, #tpu.memory_space<vmem>>) target_semaphore(%arg26 : memref<!tpu.dma_semaphore, #tpu.memory_space<semaphore_mem>>)
          %dma_start3A_168 = tpu.memref_slice %arg3[%add3A_165] : memref<160000xi32, #tpu.memory_space<hbm>> -> memref<176xi32, #tpu.memory_space<hbm>>
          %dma_start3A_169 = tpu.memref_slice %arg3[%add3A_165] : memref<160000xi32, #tpu.memory_space<hbm>> -> memref<176xi32, #tpu.memory_space<hbm>>
          tpu.enqueue_dma source(%dma_start3A_169 : memref<176xi32, #tpu.memory_space<hbm>>) target(%arg15 : memref<176xi32, #tpu.memory_space<vmem>>) target_semaphore(%arg26 : memref<!tpu.dma_semaphore, #tpu.memory_space<semaphore_mem>>)
        } else {
        }
        %add3A_86 = arith.constant 1 : i32
        %add3A_87 = arith.addi %add3A_78, %add3A_86 : i32
        %lt3A_88 = arith.constant 56 : i32
        %lt3A_89 = arith.cmpi slt, %add3A_87, %lt3A_88 : i32
        %convert_element_type3A_90 = arith.extui %lt3A_89 : i1 to i32
        %cond3A_91 = arith.constant 0 : i32
        %cond3A_92 = arith.cmpi ne, %convert_element_type3A_90, %cond3A_91 : i32
        scf.if %cond3A_92 {
          %add3A_159 = arith.constant 1 : i32
          %add3A_160 = arith.addi %add3A_78, %add3A_159 : i32
          %mul3A_161 = arith.constant 10000 : i32
          %mul3A_162 = arith.muli %arg1, %mul3A_161 : i32
          %mul3A_163 = arith.constant 176 : i32
          %mul3A_164 = arith.muli %add3A_160, %mul3A_163 : i32
          %add3A_165 = arith.addi %mul3A_162, %mul3A_164 : i32
          %dma_wait3A_166 = tpu.memref_slice %arg2[%add3A_165] : memref<160000xi32, #tpu.memory_space<hbm>> -> memref<176xi32, #tpu.memory_space<hbm>>
          %dma_wait3A_167 = tpu.memref_slice %arg2[%add3A_165] : memref<160000xi32, #tpu.memory_space<hbm>> -> memref<176xi32, #tpu.memory_space<hbm>>
          tpu.wait_dma2 semaphore(%arg25 : memref<!tpu.dma_semaphore, #tpu.memory_space<semaphore_mem>>) src(%dma_wait3A_167 : memref<176xi32, #tpu.memory_space<hbm>>) dst(%arg10 : memref<176xi32, #tpu.memory_space<vmem>>)
          %dma_wait3A_168 = tpu.memref_slice %arg3[%add3A_165] : memref<160000xi32, #tpu.memory_space<hbm>> -> memref<176xi32, #tpu.memory_space<hbm>>
          %dma_wait3A_169 = tpu.memref_slice %arg3[%add3A_165] : memref<160000xi32, #tpu.memory_space<hbm>> -> memref<176xi32, #tpu.memory_space<hbm>>
          tpu.wait_dma2 semaphore(%arg25 : memref<!tpu.dma_semaphore, #tpu.memory_space<semaphore_mem>>) src(%dma_wait3A_169 : memref<176xi32, #tpu.memory_space<hbm>>) dst(%arg14 : memref<176xi32, #tpu.memory_space<vmem>>)
          %dma_start3A_170 = arith.constant 0 : i32
          %dma_start3A_171 = arith.constant 0 : i32
          %dma_start3A_172 = tpu.memref_slice %arg5[%dma_start3A_170, %dma_start3A_171] : memref<10000x128xf32, #tpu.memory_space<hbm>> -> memref<10000x128xf32, #tpu.memory_space<hbm>>
          tpu.enqueue_indirect_dma source(%dma_start3A_172 : memref<10000x128xf32, #tpu.memory_space<hbm>>) target(%arg18 : memref<176x128xf32, #tpu.memory_space<vmem>>) offsets(%arg10 : memref<176xi32, #tpu.memory_space<vmem>>) semaphore(%arg23 : memref<!tpu.dma_semaphore, #tpu.memory_space<semaphore_mem>>)
        } else {
        }
        %dma_wait3A_93 = arith.constant 0 : i32
        %dma_wait3A_94 = arith.constant 0 : i32
        %dma_wait3A_95 = tpu.memref_slice %arg5[%dma_wait3A_93, %dma_wait3A_94] : memref<10000x128xf32, #tpu.memory_space<hbm>> -> memref<10000x128xf32, #tpu.memory_space<hbm>>
        tpu.wait_indirect_dma semaphore(%arg22 : memref<!tpu.dma_semaphore, #tpu.memory_space<semaphore_mem>>) src(%dma_wait3A_95 : memref<10000x128xf32, #tpu.memory_space<hbm>>) dst(%arg17 : memref<176x128xf32, #tpu.memory_space<vmem>>)
        "tpu.region"() ({
          %run_scoped3A = tpu.sem_alloc : memref<!tpu.dma_semaphore, #tpu.memory_space<semaphore_mem>>
          %dma_start3A_159 = arith.constant 0 : i32
          %dma_start3A_160 = arith.constant 0 : i32
          %dma_start3A_161 = tpu.memref_slice %arg21[%dma_start3A_159, %dma_start3A_160] : memref<10000x128xf32, #tpu.memory_space<vmem_shared>> -> memref<10000x128xf32, #tpu.memory_space<vmem_shared>>
          tpu.enqueue_indirect_dma source(%arg17 : memref<176x128xf32, #tpu.memory_space<vmem>>) target(%dma_start3A_161 : memref<10000x128xf32, #tpu.memory_space<vmem_shared>>) offsets(%arg13 : memref<176xi32, #tpu.memory_space<vmem>>) semaphore(%run_scoped3A : memref<!tpu.dma_semaphore, #tpu.memory_space<semaphore_mem>>) {add = true}
          %dma_wait3A_162 = arith.constant 0 : i32
          %dma_wait3A_163 = arith.constant 0 : i32
          %dma_wait3A_164 = tpu.memref_slice %arg21[%dma_wait3A_162, %dma_wait3A_163] : memref<10000x128xf32, #tpu.memory_space<vmem_shared>> -> memref<10000x128xf32, #tpu.memory_space<vmem_shared>>
          tpu.wait_indirect_dma semaphore(%run_scoped3A : memref<!tpu.dma_semaphore, #tpu.memory_space<semaphore_mem>>) src(%arg17 : memref<176x128xf32, #tpu.memory_space<vmem>>) dst(%dma_wait3A_164 : memref<10000x128xf32, #tpu.memory_space<vmem_shared>>)
          tpu.yield
        }) : () -> ()
        %mul3A_96 = arith.constant 4 : i32
        %mul3A_97 = arith.muli %mul3A_96, %add3A_74 : i32
        %add3A_98 = arith.constant 1 : i32
        %add3A_99 = arith.addi %mul3A_97, %add3A_98 : i32
        %add3A_100 = arith.constant 2 : i32
        %add3A_101 = arith.addi %add3A_99, %add3A_100 : i32
        %lt3A_102 = arith.constant 56 : i32
        %lt3A_103 = arith.cmpi slt, %add3A_101, %lt3A_102 : i32
        %convert_element_type3A_104 = arith.extui %lt3A_103 : i1 to i32
        %cond3A_105 = arith.constant 0 : i32
        %cond3A_106 = arith.cmpi ne, %convert_element_type3A_104, %cond3A_105 : i32
        scf.if %cond3A_106 {
          %add3A_159 = arith.constant 2 : i32
          %add3A_160 = arith.addi %add3A_99, %add3A_159 : i32
          %mul3A_161 = arith.constant 10000 : i32
          %mul3A_162 = arith.muli %arg1, %mul3A_161 : i32
          %mul3A_163 = arith.constant 176 : i32
          %mul3A_164 = arith.muli %add3A_160, %mul3A_163 : i32
          %add3A_165 = arith.addi %mul3A_162, %mul3A_164 : i32
          %dma_start3A_166 = tpu.memref_slice %arg2[%add3A_165] : memref<160000xi32, #tpu.memory_space<hbm>> -> memref<176xi32, #tpu.memory_space<hbm>>
          %dma_start3A_167 = tpu.memref_slice %arg2[%add3A_165] : memref<160000xi32, #tpu.memory_space<hbm>> -> memref<176xi32, #tpu.memory_space<hbm>>
          tpu.enqueue_dma source(%dma_start3A_167 : memref<176xi32, #tpu.memory_space<hbm>>) target(%arg12 : memref<176xi32, #tpu.memory_space<vmem>>) target_semaphore(%arg27 : memref<!tpu.dma_semaphore, #tpu.memory_space<semaphore_mem>>)
          %dma_start3A_168 = tpu.memref_slice %arg3[%add3A_165] : memref<160000xi32, #tpu.memory_space<hbm>> -> memref<176xi32, #tpu.memory_space<hbm>>
          %dma_start3A_169 = tpu.memref_slice %arg3[%add3A_165] : memref<160000xi32, #tpu.memory_space<hbm>> -> memref<176xi32, #tpu.memory_space<hbm>>
          tpu.enqueue_dma source(%dma_start3A_169 : memref<176xi32, #tpu.memory_space<hbm>>) target(%arg16 : memref<176xi32, #tpu.memory_space<vmem>>) target_semaphore(%arg27 : memref<!tpu.dma_semaphore, #tpu.memory_space<semaphore_mem>>)
        } else {
        }
        %add3A_107 = arith.constant 1 : i32
        %add3A_108 = arith.addi %add3A_99, %add3A_107 : i32
        %lt3A_109 = arith.constant 56 : i32
        %lt3A_110 = arith.cmpi slt, %add3A_108, %lt3A_109 : i32
        %convert_element_type3A_111 = arith.extui %lt3A_110 : i1 to i32
        %cond3A_112 = arith.constant 0 : i32
        %cond3A_113 = arith.cmpi ne, %convert_element_type3A_111, %cond3A_112 : i32
        scf.if %cond3A_113 {
          %add3A_159 = arith.constant 1 : i32
          %add3A_160 = arith.addi %add3A_99, %add3A_159 : i32
          %mul3A_161 = arith.constant 10000 : i32
          %mul3A_162 = arith.muli %arg1, %mul3A_161 : i32
          %mul3A_163 = arith.constant 176 : i32
          %mul3A_164 = arith.muli %add3A_160, %mul3A_163 : i32
          %add3A_165 = arith.addi %mul3A_162, %mul3A_164 : i32
          %dma_wait3A_166 = tpu.memref_slice %arg2[%add3A_165] : memref<160000xi32, #tpu.memory_space<hbm>> -> memref<176xi32, #tpu.memory_space<hbm>>
          %dma_wait3A_167 = tpu.memref_slice %arg2[%add3A_165] : memref<160000xi32, #tpu.memory_space<hbm>> -> memref<176xi32, #tpu.memory_space<hbm>>
          tpu.wait_dma2 semaphore(%arg26 : memref<!tpu.dma_semaphore, #tpu.memory_space<semaphore_mem>>) src(%dma_wait3A_167 : memref<176xi32, #tpu.memory_space<hbm>>) dst(%arg11 : memref<176xi32, #tpu.memory_space<vmem>>)
          %dma_wait3A_168 = tpu.memref_slice %arg3[%add3A_165] : memref<160000xi32, #tpu.memory_space<hbm>> -> memref<176xi32, #tpu.memory_space<hbm>>
          %dma_wait3A_169 = tpu.memref_slice %arg3[%add3A_165] : memref<160000xi32, #tpu.memory_space<hbm>> -> memref<176xi32, #tpu.memory_space<hbm>>
          tpu.wait_dma2 semaphore(%arg26 : memref<!tpu.dma_semaphore, #tpu.memory_space<semaphore_mem>>) src(%dma_wait3A_169 : memref<176xi32, #tpu.memory_space<hbm>>) dst(%arg15 : memref<176xi32, #tpu.memory_space<vmem>>)
          %dma_start3A_170 = arith.constant 0 : i32
          %dma_start3A_171 = arith.constant 0 : i32
          %dma_start3A_172 = tpu.memref_slice %arg5[%dma_start3A_170, %dma_start3A_171] : memref<10000x128xf32, #tpu.memory_space<hbm>> -> memref<10000x128xf32, #tpu.memory_space<hbm>>
          tpu.enqueue_indirect_dma source(%dma_start3A_172 : memref<10000x128xf32, #tpu.memory_space<hbm>>) target(%arg17 : memref<176x128xf32, #tpu.memory_space<vmem>>) offsets(%arg11 : memref<176xi32, #tpu.memory_space<vmem>>) semaphore(%arg22 : memref<!tpu.dma_semaphore, #tpu.memory_space<semaphore_mem>>)
        } else {
        }
        %dma_wait3A_114 = arith.constant 0 : i32
        %dma_wait3A_115 = arith.constant 0 : i32
        %dma_wait3A_116 = tpu.memref_slice %arg5[%dma_wait3A_114, %dma_wait3A_115] : memref<10000x128xf32, #tpu.memory_space<hbm>> -> memref<10000x128xf32, #tpu.memory_space<hbm>>
        tpu.wait_indirect_dma semaphore(%arg23 : memref<!tpu.dma_semaphore, #tpu.memory_space<semaphore_mem>>) src(%dma_wait3A_116 : memref<10000x128xf32, #tpu.memory_space<hbm>>) dst(%arg18 : memref<176x128xf32, #tpu.memory_space<vmem>>)
        "tpu.region"() ({
          %run_scoped3A = tpu.sem_alloc : memref<!tpu.dma_semaphore, #tpu.memory_space<semaphore_mem>>
          %dma_start3A_159 = arith.constant 0 : i32
          %dma_start3A_160 = arith.constant 0 : i32
          %dma_start3A_161 = tpu.memref_slice %arg21[%dma_start3A_159, %dma_start3A_160] : memref<10000x128xf32, #tpu.memory_space<vmem_shared>> -> memref<10000x128xf32, #tpu.memory_space<vmem_shared>>
          tpu.enqueue_indirect_dma source(%arg18 : memref<176x128xf32, #tpu.memory_space<vmem>>) target(%dma_start3A_161 : memref<10000x128xf32, #tpu.memory_space<vmem_shared>>) offsets(%arg14 : memref<176xi32, #tpu.memory_space<vmem>>) semaphore(%run_scoped3A : memref<!tpu.dma_semaphore, #tpu.memory_space<semaphore_mem>>) {add = true}
          %dma_wait3A_162 = arith.constant 0 : i32
          %dma_wait3A_163 = arith.constant 0 : i32
          %dma_wait3A_164 = tpu.memref_slice %arg21[%dma_wait3A_162, %dma_wait3A_163] : memref<10000x128xf32, #tpu.memory_space<vmem_shared>> -> memref<10000x128xf32, #tpu.memory_space<vmem_shared>>
          tpu.wait_indirect_dma semaphore(%run_scoped3A : memref<!tpu.dma_semaphore, #tpu.memory_space<semaphore_mem>>) src(%arg18 : memref<176x128xf32, #tpu.memory_space<vmem>>) dst(%dma_wait3A_164 : memref<10000x128xf32, #tpu.memory_space<vmem_shared>>)
          tpu.yield
        }) : () -> ()
        %mul3A_117 = arith.constant 4 : i32
        %mul3A_118 = arith.muli %mul3A_117, %add3A_74 : i32
        %add3A_119 = arith.constant 2 : i32
        %add3A_120 = arith.addi %mul3A_118, %add3A_119 : i32
        %add3A_121 = arith.constant 2 : i32
        %add3A_122 = arith.addi %add3A_120, %add3A_121 : i32
        %lt3A_123 = arith.constant 56 : i32
        %lt3A_124 = arith.cmpi slt, %add3A_122, %lt3A_123 : i32
        %convert_element_type3A_125 = arith.extui %lt3A_124 : i1 to i32
        %cond3A_126 = arith.constant 0 : i32
        %cond3A_127 = arith.cmpi ne, %convert_element_type3A_125, %cond3A_126 : i32
        scf.if %cond3A_127 {
          %add3A_159 = arith.constant 2 : i32
          %add3A_160 = arith.addi %add3A_120, %add3A_159 : i32
          %mul3A_161 = arith.constant 10000 : i32
          %mul3A_162 = arith.muli %arg1, %mul3A_161 : i32
          %mul3A_163 = arith.constant 176 : i32
          %mul3A_164 = arith.muli %add3A_160, %mul3A_163 : i32
          %add3A_165 = arith.addi %mul3A_162, %mul3A_164 : i32
          %dma_start3A_166 = tpu.memref_slice %arg2[%add3A_165] : memref<160000xi32, #tpu.memory_space<hbm>> -> memref<176xi32, #tpu.memory_space<hbm>>
          %dma_start3A_167 = tpu.memref_slice %arg2[%add3A_165] : memref<160000xi32, #tpu.memory_space<hbm>> -> memref<176xi32, #tpu.memory_space<hbm>>
          tpu.enqueue_dma source(%dma_start3A_167 : memref<176xi32, #tpu.memory_space<hbm>>) target(%arg9 : memref<176xi32, #tpu.memory_space<vmem>>) target_semaphore(%arg24 : memref<!tpu.dma_semaphore, #tpu.memory_space<semaphore_mem>>)
          %dma_start3A_168 = tpu.memref_slice %arg3[%add3A_165] : memref<160000xi32, #tpu.memory_space<hbm>> -> memref<176xi32, #tpu.memory_space<hbm>>
          %dma_start3A_169 = tpu.memref_slice %arg3[%add3A_165] : memref<160000xi32, #tpu.memory_space<hbm>> -> memref<176xi32, #tpu.memory_space<hbm>>
          tpu.enqueue_dma source(%dma_start3A_169 : memref<176xi32, #tpu.memory_space<hbm>>) target(%arg13 : memref<176xi32, #tpu.memory_space<vmem>>) target_semaphore(%arg24 : memref<!tpu.dma_semaphore, #tpu.memory_space<semaphore_mem>>)
        } else {
        }
        %add3A_128 = arith.constant 1 : i32
        %add3A_129 = arith.addi %add3A_120, %add3A_128 : i32
        %lt3A_130 = arith.constant 56 : i32
        %lt3A_131 = arith.cmpi slt, %add3A_129, %lt3A_130 : i32
        %convert_element_type3A_132 = arith.extui %lt3A_131 : i1 to i32
        %cond3A_133 = arith.constant 0 : i32
        %cond3A_134 = arith.cmpi ne, %convert_element_type3A_132, %cond3A_133 : i32
        scf.if %cond3A_134 {
          %add3A_159 = arith.constant 1 : i32
          %add3A_160 = arith.addi %add3A_120, %add3A_159 : i32
          %mul3A_161 = arith.constant 10000 : i32
          %mul3A_162 = arith.muli %arg1, %mul3A_161 : i32
          %mul3A_163 = arith.constant 176 : i32
          %mul3A_164 = arith.muli %add3A_160, %mul3A_163 : i32
          %add3A_165 = arith.addi %mul3A_162, %mul3A_164 : i32
          %dma_wait3A_166 = tpu.memref_slice %arg2[%add3A_165] : memref<160000xi32, #tpu.memory_space<hbm>> -> memref<176xi32, #tpu.memory_space<hbm>>
          %dma_wait3A_167 = tpu.memref_slice %arg2[%add3A_165] : memref<160000xi32, #tpu.memory_space<hbm>> -> memref<176xi32, #tpu.memory_space<hbm>>
          tpu.wait_dma2 semaphore(%arg27 : memref<!tpu.dma_semaphore, #tpu.memory_space<semaphore_mem>>) src(%dma_wait3A_167 : memref<176xi32, #tpu.memory_space<hbm>>) dst(%arg12 : memref<176xi32, #tpu.memory_space<vmem>>)
          %dma_wait3A_168 = tpu.memref_slice %arg3[%add3A_165] : memref<160000xi32, #tpu.memory_space<hbm>> -> memref<176xi32, #tpu.memory_space<hbm>>
          %dma_wait3A_169 = tpu.memref_slice %arg3[%add3A_165] : memref<160000xi32, #tpu.memory_space<hbm>> -> memref<176xi32, #tpu.memory_space<hbm>>
          tpu.wait_dma2 semaphore(%arg27 : memref<!tpu.dma_semaphore, #tpu.memory_space<semaphore_mem>>) src(%dma_wait3A_169 : memref<176xi32, #tpu.memory_space<hbm>>) dst(%arg16 : memref<176xi32, #tpu.memory_space<vmem>>)
          %dma_start3A_170 = arith.constant 0 : i32
          %dma_start3A_171 = arith.constant 0 : i32
          %dma_start3A_172 = tpu.memref_slice %arg5[%dma_start3A_170, %dma_start3A_171] : memref<10000x128xf32, #tpu.memory_space<hbm>> -> memref<10000x128xf32, #tpu.memory_space<hbm>>
          tpu.enqueue_indirect_dma source(%dma_start3A_172 : memref<10000x128xf32, #tpu.memory_space<hbm>>) target(%arg18 : memref<176x128xf32, #tpu.memory_space<vmem>>) offsets(%arg12 : memref<176xi32, #tpu.memory_space<vmem>>) semaphore(%arg23 : memref<!tpu.dma_semaphore, #tpu.memory_space<semaphore_mem>>)
        } else {
        }
        %dma_wait3A_135 = arith.constant 0 : i32
        %dma_wait3A_136 = arith.constant 0 : i32
        %dma_wait3A_137 = tpu.memref_slice %arg5[%dma_wait3A_135, %dma_wait3A_136] : memref<10000x128xf32, #tpu.memory_space<hbm>> -> memref<10000x128xf32, #tpu.memory_space<hbm>>
        tpu.wait_indirect_dma semaphore(%arg22 : memref<!tpu.dma_semaphore, #tpu.memory_space<semaphore_mem>>) src(%dma_wait3A_137 : memref<10000x128xf32, #tpu.memory_space<hbm>>) dst(%arg17 : memref<176x128xf32, #tpu.memory_space<vmem>>)
        "tpu.region"() ({
          %run_scoped3A = tpu.sem_alloc : memref<!tpu.dma_semaphore, #tpu.memory_space<semaphore_mem>>
          %dma_start3A_159 = arith.constant 0 : i32
          %dma_start3A_160 = arith.constant 0 : i32
          %dma_start3A_161 = tpu.memref_slice %arg21[%dma_start3A_159, %dma_start3A_160] : memref<10000x128xf32, #tpu.memory_space<vmem_shared>> -> memref<10000x128xf32, #tpu.memory_space<vmem_shared>>
          tpu.enqueue_indirect_dma source(%arg17 : memref<176x128xf32, #tpu.memory_space<vmem>>) target(%dma_start3A_161 : memref<10000x128xf32, #tpu.memory_space<vmem_shared>>) offsets(%arg15 : memref<176xi32, #tpu.memory_space<vmem>>) semaphore(%run_scoped3A : memref<!tpu.dma_semaphore, #tpu.memory_space<semaphore_mem>>) {add = true}
          %dma_wait3A_162 = arith.constant 0 : i32
          %dma_wait3A_163 = arith.constant 0 : i32
          %dma_wait3A_164 = tpu.memref_slice %arg21[%dma_wait3A_162, %dma_wait3A_163] : memref<10000x128xf32, #tpu.memory_space<vmem_shared>> -> memref<10000x128xf32, #tpu.memory_space<vmem_shared>>
          tpu.wait_indirect_dma semaphore(%run_scoped3A : memref<!tpu.dma_semaphore, #tpu.memory_space<semaphore_mem>>) src(%arg17 : memref<176x128xf32, #tpu.memory_space<vmem>>) dst(%dma_wait3A_164 : memref<10000x128xf32, #tpu.memory_space<vmem_shared>>)
          tpu.yield
        }) : () -> ()
        %mul3A_138 = arith.constant 4 : i32
        %mul3A_139 = arith.muli %mul3A_138, %add3A_74 : i32
        %add3A_140 = arith.constant 3 : i32
        %add3A_141 = arith.addi %mul3A_139, %add3A_140 : i32
        %add3A_142 = arith.constant 2 : i32
        %add3A_143 = arith.addi %add3A_141, %add3A_142 : i32
        %lt3A_144 = arith.constant 56 : i32
        %lt3A_145 = arith.cmpi slt, %add3A_143, %lt3A_144 : i32
        %convert_element_type3A_146 = arith.extui %lt3A_145 : i1 to i32
        %cond3A_147 = arith.constant 0 : i32
        %cond3A_148 = arith.cmpi ne, %convert_element_type3A_146, %cond3A_147 : i32
        scf.if %cond3A_148 {
          %add3A_159 = arith.constant 2 : i32
          %add3A_160 = arith.addi %add3A_141, %add3A_159 : i32
          %mul3A_161 = arith.constant 10000 : i32
          %mul3A_162 = arith.muli %arg1, %mul3A_161 : i32
          %mul3A_163 = arith.constant 176 : i32
          %mul3A_164 = arith.muli %add3A_160, %mul3A_163 : i32
          %add3A_165 = arith.addi %mul3A_162, %mul3A_164 : i32
          %dma_start3A_166 = tpu.memref_slice %arg2[%add3A_165] : memref<160000xi32, #tpu.memory_space<hbm>> -> memref<176xi32, #tpu.memory_space<hbm>>
          %dma_start3A_167 = tpu.memref_slice %arg2[%add3A_165] : memref<160000xi32, #tpu.memory_space<hbm>> -> memref<176xi32, #tpu.memory_space<hbm>>
          tpu.enqueue_dma source(%dma_start3A_167 : memref<176xi32, #tpu.memory_space<hbm>>) target(%arg10 : memref<176xi32, #tpu.memory_space<vmem>>) target_semaphore(%arg25 : memref<!tpu.dma_semaphore, #tpu.memory_space<semaphore_mem>>)
          %dma_start3A_168 = tpu.memref_slice %arg3[%add3A_165] : memref<160000xi32, #tpu.memory_space<hbm>> -> memref<176xi32, #tpu.memory_space<hbm>>
          %dma_start3A_169 = tpu.memref_slice %arg3[%add3A_165] : memref<160000xi32, #tpu.memory_space<hbm>> -> memref<176xi32, #tpu.memory_space<hbm>>
          tpu.enqueue_dma source(%dma_start3A_169 : memref<176xi32, #tpu.memory_space<hbm>>) target(%arg14 : memref<176xi32, #tpu.memory_space<vmem>>) target_semaphore(%arg25 : memref<!tpu.dma_semaphore, #tpu.memory_space<semaphore_mem>>)
        } else {
        }
        %add3A_149 = arith.constant 1 : i32
        %add3A_150 = arith.addi %add3A_141, %add3A_149 : i32
        %lt3A_151 = arith.constant 56 : i32
        %lt3A_152 = arith.cmpi slt, %add3A_150, %lt3A_151 : i32
        %convert_element_type3A_153 = arith.extui %lt3A_152 : i1 to i32
        %cond3A_154 = arith.constant 0 : i32
        %cond3A_155 = arith.cmpi ne, %convert_element_type3A_153, %cond3A_154 : i32
        scf.if %cond3A_155 {
          %add3A_159 = arith.constant 1 : i32
          %add3A_160 = arith.addi %add3A_141, %add3A_159 : i32
          %mul3A_161 = arith.constant 10000 : i32
          %mul3A_162 = arith.muli %arg1, %mul3A_161 : i32
          %mul3A_163 = arith.constant 176 : i32
          %mul3A_164 = arith.muli %add3A_160, %mul3A_163 : i32
          %add3A_165 = arith.addi %mul3A_162, %mul3A_164 : i32
          %dma_wait3A_166 = tpu.memref_slice %arg2[%add3A_165] : memref<160000xi32, #tpu.memory_space<hbm>> -> memref<176xi32, #tpu.memory_space<hbm>>
          %dma_wait3A_167 = tpu.memref_slice %arg2[%add3A_165] : memref<160000xi32, #tpu.memory_space<hbm>> -> memref<176xi32, #tpu.memory_space<hbm>>
          tpu.wait_dma2 semaphore(%arg24 : memref<!tpu.dma_semaphore, #tpu.memory_space<semaphore_mem>>) src(%dma_wait3A_167 : memref<176xi32, #tpu.memory_space<hbm>>) dst(%arg9 : memref<176xi32, #tpu.memory_space<vmem>>)
          %dma_wait3A_168 = tpu.memref_slice %arg3[%add3A_165] : memref<160000xi32, #tpu.memory_space<hbm>> -> memref<176xi32, #tpu.memory_space<hbm>>
          %dma_wait3A_169 = tpu.memref_slice %arg3[%add3A_165] : memref<160000xi32, #tpu.memory_space<hbm>> -> memref<176xi32, #tpu.memory_space<hbm>>
          tpu.wait_dma2 semaphore(%arg24 : memref<!tpu.dma_semaphore, #tpu.memory_space<semaphore_mem>>) src(%dma_wait3A_169 : memref<176xi32, #tpu.memory_space<hbm>>) dst(%arg13 : memref<176xi32, #tpu.memory_space<vmem>>)
          %dma_start3A_170 = arith.constant 0 : i32
          %dma_start3A_171 = arith.constant 0 : i32
          %dma_start3A_172 = tpu.memref_slice %arg5[%dma_start3A_170, %dma_start3A_171] : memref<10000x128xf32, #tpu.memory_space<hbm>> -> memref<10000x128xf32, #tpu.memory_space<hbm>>
          tpu.enqueue_indirect_dma source(%dma_start3A_172 : memref<10000x128xf32, #tpu.memory_space<hbm>>) target(%arg17 : memref<176x128xf32, #tpu.memory_space<vmem>>) offsets(%arg9 : memref<176xi32, #tpu.memory_space<vmem>>) semaphore(%arg22 : memref<!tpu.dma_semaphore, #tpu.memory_space<semaphore_mem>>)
        } else {
        }
        %dma_wait3A_156 = arith.constant 0 : i32
        %dma_wait3A_157 = arith.constant 0 : i32
        %dma_wait3A_158 = tpu.memref_slice %arg5[%dma_wait3A_156, %dma_wait3A_157] : memref<10000x128xf32, #tpu.memory_space<hbm>> -> memref<10000x128xf32, #tpu.memory_space<hbm>>
        tpu.wait_indirect_dma semaphore(%arg23 : memref<!tpu.dma_semaphore, #tpu.memory_space<semaphore_mem>>) src(%dma_wait3A_158 : memref<10000x128xf32, #tpu.memory_space<hbm>>) dst(%arg18 : memref<176x128xf32, #tpu.memory_space<vmem>>)
        "tpu.region"() ({
          %run_scoped3A = tpu.sem_alloc : memref<!tpu.dma_semaphore, #tpu.memory_space<semaphore_mem>>
          %dma_start3A_159 = arith.constant 0 : i32
          %dma_start3A_160 = arith.constant 0 : i32
          %dma_start3A_161 = tpu.memref_slice %arg21[%dma_start3A_159, %dma_start3A_160] : memref<10000x128xf32, #tpu.memory_space<vmem_shared>> -> memref<10000x128xf32, #tpu.memory_space<vmem_shared>>
          tpu.enqueue_indirect_dma source(%arg18 : memref<176x128xf32, #tpu.memory_space<vmem>>) target(%dma_start3A_161 : memref<10000x128xf32, #tpu.memory_space<vmem_shared>>) offsets(%arg16 : memref<176xi32, #tpu.memory_space<vmem>>) semaphore(%run_scoped3A : memref<!tpu.dma_semaphore, #tpu.memory_space<semaphore_mem>>) {add = true}
          %dma_wait3A_162 = arith.constant 0 : i32
          %dma_wait3A_163 = arith.constant 0 : i32
          %dma_wait3A_164 = tpu.memref_slice %arg21[%dma_wait3A_162, %dma_wait3A_163] : memref<10000x128xf32, #tpu.memory_space<vmem_shared>> -> memref<10000x128xf32, #tpu.memory_space<vmem_shared>>
          tpu.wait_indirect_dma semaphore(%run_scoped3A : memref<!tpu.dma_semaphore, #tpu.memory_space<semaphore_mem>>) src(%arg18 : memref<176x128xf32, #tpu.memory_space<vmem>>) dst(%dma_wait3A_164 : memref<10000x128xf32, #tpu.memory_space<vmem_shared>>)
          tpu.yield
        }) : () -> ()
      }
      %scan3A_42 = arith.constant 14 : i32
      %mul3A_43 = arith.constant 10000 : i32
      %mul3A_44 = arith.muli %arg1, %mul3A_43 : i32
      %add3A_45 = arith.constant 9856 : i32
      %add3A_46 = arith.addi %mul3A_44, %add3A_45 : i32
      "tpu.region"() ({
        %run_scoped3A = tpu.sem_alloc : memref<!tpu.dma_semaphore, #tpu.memory_space<semaphore_mem>>
        %dma_start3A_70 = tpu.memref_slice %arg2[%add3A_46] : memref<160000xi32, #tpu.memory_space<hbm>> -> memref<144xi32, #tpu.memory_space<hbm>>
        %dma_start3A_71 = tpu.memref_slice %arg2[%add3A_46] : memref<160000xi32, #tpu.memory_space<hbm>> -> memref<144xi32, #tpu.memory_space<hbm>>
        tpu.enqueue_dma source(%dma_start3A_71 : memref<144xi32, #tpu.memory_space<hbm>>) target(%arg19 : memref<144xi32, #tpu.memory_space<vmem>>) target_semaphore(%run_scoped3A : memref<!tpu.dma_semaphore, #tpu.memory_space<semaphore_mem>>)
        %dma_wait3A_72 = tpu.memref_slice %arg2[%add3A_46] : memref<160000xi32, #tpu.memory_space<hbm>> -> memref<144xi32, #tpu.memory_space<hbm>>
        %dma_wait3A_73 = tpu.memref_slice %arg2[%add3A_46] : memref<160000xi32, #tpu.memory_space<hbm>> -> memref<144xi32, #tpu.memory_space<hbm>>
        tpu.wait_dma2 semaphore(%run_scoped3A : memref<!tpu.dma_semaphore, #tpu.memory_space<semaphore_mem>>) src(%dma_wait3A_73 : memref<144xi32, #tpu.memory_space<hbm>>) dst(%arg19 : memref<144xi32, #tpu.memory_space<vmem>>)
        tpu.yield
      }) : () -> ()
      "tpu.region"() ({
        %run_scoped3A = tpu.sem_alloc : memref<!tpu.dma_semaphore, #tpu.memory_space<semaphore_mem>>
        %dma_start3A_70 = tpu.memref_slice %arg3[%add3A_46] : memref<160000xi32, #tpu.memory_space<hbm>> -> memref<144xi32, #tpu.memory_space<hbm>>
        %dma_start3A_71 = tpu.memref_slice %arg3[%add3A_46] : memref<160000xi32, #tpu.memory_space<hbm>> -> memref<144xi32, #tpu.memory_space<hbm>>
        tpu.enqueue_dma source(%dma_start3A_71 : memref<144xi32, #tpu.memory_space<hbm>>) target(%arg20 : memref<144xi32, #tpu.memory_space<vmem>>) target_semaphore(%run_scoped3A : memref<!tpu.dma_semaphore, #tpu.memory_space<semaphore_mem>>)
        %dma_wait3A_72 = tpu.memref_slice %arg3[%add3A_46] : memref<160000xi32, #tpu.memory_space<hbm>> -> memref<144xi32, #tpu.memory_space<hbm>>
        %dma_wait3A_73 = tpu.memref_slice %arg3[%add3A_46] : memref<160000xi32, #tpu.memory_space<hbm>> -> memref<144xi32, #tpu.memory_space<hbm>>
        tpu.wait_dma2 semaphore(%run_scoped3A : memref<!tpu.dma_semaphore, #tpu.memory_space<semaphore_mem>>) src(%dma_wait3A_73 : memref<144xi32, #tpu.memory_space<hbm>>) dst(%arg20 : memref<144xi32, #tpu.memory_space<vmem>>)
        tpu.yield
      }) : () -> ()
      %dma_start3A_47 = arith.constant 0 : i32
      %dma_start3A_48 = arith.constant 0 : i32
      %dma_start3A_49 = tpu.memref_slice %arg17[%dma_start3A_47, %dma_start3A_48] : memref<176x128xf32, #tpu.memory_space<vmem>> -> memref<144x128xf32, #tpu.memory_space<vmem>>
      %dma_start3A_50 = arith.constant 0 : i32
      %dma_start3A_51 = arith.constant 0 : i32
      %dma_start3A_52 = tpu.memref_slice %arg5[%dma_start3A_50, %dma_start3A_51] : memref<10000x128xf32, #tpu.memory_space<hbm>> -> memref<10000x128xf32, #tpu.memory_space<hbm>>
      tpu.enqueue_indirect_dma source(%dma_start3A_52 : memref<10000x128xf32, #tpu.memory_space<hbm>>) target(%dma_start3A_49 : memref<144x128xf32, #tpu.memory_space<vmem>>) offsets(%arg19 : memref<144xi32, #tpu.memory_space<vmem>>) semaphore(%arg22 : memref<!tpu.dma_semaphore, #tpu.memory_space<semaphore_mem>>)
      %dma_wait3A_53 = arith.constant 0 : i32
      %dma_wait3A_54 = arith.constant 0 : i32
      %dma_wait3A_55 = tpu.memref_slice %arg17[%dma_wait3A_53, %dma_wait3A_54] : memref<176x128xf32, #tpu.memory_space<vmem>> -> memref<144x128xf32, #tpu.memory_space<vmem>>
      %dma_wait3A_56 = arith.constant 0 : i32
      %dma_wait3A_57 = arith.constant 0 : i32
      %dma_wait3A_58 = tpu.memref_slice %arg5[%dma_wait3A_56, %dma_wait3A_57] : memref<10000x128xf32, #tpu.memory_space<hbm>> -> memref<10000x128xf32, #tpu.memory_space<hbm>>
      tpu.wait_indirect_dma semaphore(%arg22 : memref<!tpu.dma_semaphore, #tpu.memory_space<semaphore_mem>>) src(%dma_wait3A_58 : memref<10000x128xf32, #tpu.memory_space<hbm>>) dst(%dma_wait3A_55 : memref<144x128xf32, #tpu.memory_space<vmem>>)
      "tpu.region"() ({
        %run_scoped3A = tpu.sem_alloc : memref<!tpu.dma_semaphore, #tpu.memory_space<semaphore_mem>>
        %dma_start3A_70 = arith.constant 0 : i32
        %dma_start3A_71 = arith.constant 0 : i32
        %dma_start3A_72 = tpu.memref_slice %arg17[%dma_start3A_70, %dma_start3A_71] : memref<176x128xf32, #tpu.memory_space<vmem>> -> memref<144x128xf32, #tpu.memory_space<vmem>>
        %dma_start3A_73 = arith.constant 0 : i32
        %dma_start3A_74 = arith.constant 0 : i32
        %dma_start3A_75 = tpu.memref_slice %arg21[%dma_start3A_73, %dma_start3A_74] : memref<10000x128xf32, #tpu.memory_space<vmem_shared>> -> memref<10000x128xf32, #tpu.memory_space<vmem_shared>>
        tpu.enqueue_indirect_dma source(%dma_start3A_72 : memref<144x128xf32, #tpu.memory_space<vmem>>) target(%dma_start3A_75 : memref<10000x128xf32, #tpu.memory_space<vmem_shared>>) offsets(%arg20 : memref<144xi32, #tpu.memory_space<vmem>>) semaphore(%run_scoped3A : memref<!tpu.dma_semaphore, #tpu.memory_space<semaphore_mem>>) {add = true}
        %dma_wait3A_76 = arith.constant 0 : i32
        %dma_wait3A_77 = arith.constant 0 : i32
        %dma_wait3A_78 = tpu.memref_slice %arg17[%dma_wait3A_76, %dma_wait3A_77] : memref<176x128xf32, #tpu.memory_space<vmem>> -> memref<144x128xf32, #tpu.memory_space<vmem>>
        %dma_wait3A_79 = arith.constant 0 : i32
        %dma_wait3A_80 = arith.constant 0 : i32
        %dma_wait3A_81 = tpu.memref_slice %arg21[%dma_wait3A_79, %dma_wait3A_80] : memref<10000x128xf32, #tpu.memory_space<vmem_shared>> -> memref<10000x128xf32, #tpu.memory_space<vmem_shared>>
        tpu.wait_indirect_dma semaphore(%run_scoped3A : memref<!tpu.dma_semaphore, #tpu.memory_space<semaphore_mem>>) src(%dma_wait3A_78 : memref<144x128xf32, #tpu.memory_space<vmem>>) dst(%dma_wait3A_81 : memref<10000x128xf32, #tpu.memory_space<vmem_shared>>)
        tpu.yield
      }) : () -> ()
      %barrier3A_59 = arith.constant 0 : index
      tpu.barrier barrier_id(%barrier3A_59)
      %lt3A_60 = arith.constant 15 : i32
      %lt3A_61 = arith.cmpi slt, %arg1, %lt3A_60 : i32
      %convert_element_type3A_62 = arith.extui %lt3A_61 : i1 to i32
      %cond3A_63 = arith.constant 0 : i32
      %cond3A_64 = arith.cmpi ne, %convert_element_type3A_62, %cond3A_63 : i32
      scf.if %cond3A_64 {
        %mul3A_70 = arith.constant 624 : i32
        %mul3A_71 = arith.muli %arg1, %mul3A_70 : i32
        %mul3A_72 = arith.constant 624 : i32
        %mul3A_73 = arith.muli %arg1, %mul3A_72 : i32
        "tpu.region"() ({
          %run_scoped3A = tpu.sem_alloc : memref<!tpu.dma_semaphore, #tpu.memory_space<semaphore_mem>>
          %dma_start3A_74 = arith.constant 0 : i32
          %dma_start3A_75 = tpu.memref_slice %arg8[%mul3A_73, %dma_start3A_74] : memref<10000x128xf32, #tpu.memory_space<hbm>> -> memref<624x128xf32, #tpu.memory_space<hbm>>
          %dma_start3A_76 = arith.constant 0 : i32
          %dma_start3A_77 = tpu.memref_slice %arg21[%mul3A_71, %dma_start3A_76] : memref<10000x128xf32, #tpu.memory_space<vmem_shared>> -> memref<624x128xf32, #tpu.memory_space<vmem_shared>>
          tpu.enqueue_dma source(%dma_start3A_77 : memref<624x128xf32, #tpu.memory_space<vmem_shared>>) target(%dma_start3A_75 : memref<624x128xf32, #tpu.memory_space<hbm>>) target_semaphore(%run_scoped3A : memref<!tpu.dma_semaphore, #tpu.memory_space<semaphore_mem>>)
          %dma_wait3A_78 = arith.constant 0 : i32
          %dma_wait3A_79 = tpu.memref_slice %arg8[%mul3A_73, %dma_wait3A_78] : memref<10000x128xf32, #tpu.memory_space<hbm>> -> memref<624x128xf32, #tpu.memory_space<hbm>>
          %dma_wait3A_80 = arith.constant 0 : i32
          %dma_wait3A_81 = tpu.memref_slice %arg21[%mul3A_71, %dma_wait3A_80] : memref<10000x128xf32, #tpu.memory_space<vmem_shared>> -> memref<624x128xf32, #tpu.memory_space<vmem_shared>>
          tpu.wait_dma2 semaphore(%run_scoped3A : memref<!tpu.dma_semaphore, #tpu.memory_space<semaphore_mem>>) src(%dma_wait3A_81 : memref<624x128xf32, #tpu.memory_space<vmem_shared>>) dst(%dma_wait3A_79 : memref<624x128xf32, #tpu.memory_space<hbm>>)
          tpu.yield
        }) : () -> ()
      } else {
      }
      %eq3A_65 = arith.constant 15 : i32
      %eq3A_66 = arith.cmpi eq, %arg1, %eq3A_65 : i32
      %convert_element_type3A_67 = arith.extui %eq3A_66 : i1 to i32
      %cond3A_68 = arith.constant 0 : i32
      %cond3A_69 = arith.cmpi ne, %convert_element_type3A_67, %cond3A_68 : i32
      scf.if %cond3A_69 {
        "tpu.region"() ({
          %run_scoped3A = tpu.sem_alloc : memref<!tpu.dma_semaphore, #tpu.memory_space<semaphore_mem>>
          %dma_start3A_70 = arith.constant 9360 : i32
          %dma_start3A_71 = arith.constant 0 : i32
          %dma_start3A_72 = tpu.memref_slice %arg8[%dma_start3A_70, %dma_start3A_71] : memref<10000x128xf32, #tpu.memory_space<hbm>> -> memref<640x128xf32, #tpu.memory_space<hbm>>
          %dma_start3A_73 = arith.constant 9360 : i32
          %dma_start3A_74 = arith.constant 0 : i32
          %dma_start3A_75 = tpu.memref_slice %arg21[%dma_start3A_73, %dma_start3A_74] : memref<10000x128xf32, #tpu.memory_space<vmem_shared>> -> memref<640x128xf32, #tpu.memory_space<vmem_shared>>
          tpu.enqueue_dma source(%dma_start3A_75 : memref<640x128xf32, #tpu.memory_space<vmem_shared>>) target(%dma_start3A_72 : memref<640x128xf32, #tpu.memory_space<hbm>>) target_semaphore(%run_scoped3A : memref<!tpu.dma_semaphore, #tpu.memory_space<semaphore_mem>>)
          %dma_wait3A_76 = arith.constant 9360 : i32
          %dma_wait3A_77 = arith.constant 0 : i32
          %dma_wait3A_78 = tpu.memref_slice %arg8[%dma_wait3A_76, %dma_wait3A_77] : memref<10000x128xf32, #tpu.memory_space<hbm>> -> memref<640x128xf32, #tpu.memory_space<hbm>>
          %dma_wait3A_79 = arith.constant 9360 : i32
          %dma_wait3A_80 = arith.constant 0 : i32
          %dma_wait3A_81 = tpu.memref_slice %arg21[%dma_wait3A_79, %dma_wait3A_80] : memref<10000x128xf32, #tpu.memory_space<vmem_shared>> -> memref<640x128xf32, #tpu.memory_space<vmem_shared>>
          tpu.wait_dma2 semaphore(%run_scoped3A : memref<!tpu.dma_semaphore, #tpu.memory_space<semaphore_mem>>) src(%dma_wait3A_81 : memref<640x128xf32, #tpu.memory_space<vmem_shared>>) dst(%dma_wait3A_78 : memref<640x128xf32, #tpu.memory_space<hbm>>)
          tpu.yield
        }) : () -> ()
      } else {
      }
    } else {
    }
    return
  }
}

module attributes {stable_mosaic.version = 14 : i64} {
  func.func @_embed_body(%arg0: i32, %arg1: memref<1000x256xf32, #tpu.memory_space<vmem>>, %arg2: memref<256x256xf32, #tpu.memory_space<vmem>>, %arg3: memref<1x256xf32, #tpu.memory_space<vmem>>, %arg4: memref<1x256xf32, #tpu.memory_space<vmem>>, %arg5: memref<1000x128xf32, #tpu.memory_space<vmem>>, %arg6: memref<1000x128xf32, #tpu.memory_space<vmem>>) attributes {dimension_semantics = [#tpu.dimension_semantics<arbitrary>], iteration_bounds = array<i64: 10>, scalar_prefetch = 0 : i64, scratch_operands = 0 : i64, tpu.core_type = #tpu.core_type<tc>, window_params = [{transform_indices = @transform_0, window_bounds = array<i64: 1000, 256>}, {pipeline_mode = #tpu.pipeline_mode<synchronous>, transform_indices = @transform_1, window_bounds = array<i64: 256, 256>}, {pipeline_mode = #tpu.pipeline_mode<synchronous>, transform_indices = @transform_2, window_bounds = array<i64: 1, 256>}, {pipeline_mode = #tpu.pipeline_mode<synchronous>, transform_indices = @transform_3, window_bounds = array<i64: 1, 256>}, {transform_indices = @transform_4, window_bounds = array<i64: 1000, 128>}, {transform_indices = @transform_5, window_bounds = array<i64: 1000, 128>}]} {
    %get3A = arith.constant 0 : index
    %get3A_0 = arith.constant 0 : index
    %get3A_1 = vector.load %arg1[%get3A, %get3A_0] : memref<1000x256xf32, #tpu.memory_space<vmem>>, vector<1000x256xf32>
    %convert_element_type3A = arith.truncf %get3A_1 : vector<1000x256xf32> to vector<1000x256xbf16>
    %get3A_2 = arith.constant 0 : index
    %get3A_3 = arith.constant 0 : index
    %get3A_4 = vector.load %arg2[%get3A_2, %get3A_3] : memref<256x256xf32, #tpu.memory_space<vmem>>, vector<256x256xf32>
    %convert_element_type3A_5 = arith.truncf %get3A_4 : vector<256x256xf32> to vector<256x256xbf16>
    %dot_general3A = arith.constant dense<0.000000e+00> : vector<1000x256xf32>
    %dot_general3A_6 = tpu.matmul %convert_element_type3A, %convert_element_type3A_5, %dot_general3A {dimension_numbers = #tpu.dot_dimension_numbers<[1], [0], [0], [1], [0, 0, 1, 1], [], []>, transpose_lhs_hint = false} : vector<1000x256xbf16>, vector<256x256xbf16>, vector<1000x256xf32> -> vector<1000x256xf32>
    %tanh3A = math.tanh %dot_general3A_6 : vector<1000x256xf32>
    %reduce_sum3A = arith.constant dense<0.000000e+00> : vector<1000xf32>
    %reduce_sum3A_7 = vector.multi_reduction <add>, %tanh3A, %reduce_sum3A [1] : vector<1000x256xf32> to vector<1000xf32>
    %broadcast_in_dim3A = vector.shape_cast %reduce_sum3A_7 : vector<1000xf32> to vector<1000x1xf32>
    %div3A = arith.constant 2.560000e+02 : f32
    %div3A_8 = vector.broadcast %div3A : f32 to vector<1000x1xf32>
    %div3A_9 = arith.divf %broadcast_in_dim3A, %div3A_8 : vector<1000x1xf32>
    %sub3A = vector.broadcast %div3A_9 : vector<1000x1xf32> to vector<1000x256xf32>
    %sub3A_10 = arith.subf %tanh3A, %sub3A : vector<1000x256xf32>
    %integer_pow3A = arith.mulf %sub3A_10, %sub3A_10 : vector<1000x256xf32>
    %reduce_sum3A_11 = arith.constant dense<0.000000e+00> : vector<1000xf32>
    %reduce_sum3A_12 = vector.multi_reduction <add>, %integer_pow3A, %reduce_sum3A_11 [1] : vector<1000x256xf32> to vector<1000xf32>
    %broadcast_in_dim3A_13 = vector.shape_cast %reduce_sum3A_12 : vector<1000xf32> to vector<1000x1xf32>
    %div3A_14 = arith.constant 2.560000e+02 : f32
    %div3A_15 = vector.broadcast %div3A_14 : f32 to vector<1000x1xf32>
    %div3A_16 = arith.divf %broadcast_in_dim3A_13, %div3A_15 : vector<1000x1xf32>
    %sub3A_17 = vector.broadcast %div3A_9 : vector<1000x1xf32> to vector<1000x256xf32>
    %sub3A_18 = arith.subf %tanh3A, %sub3A_17 : vector<1000x256xf32>
    %add3A = arith.constant 9.99999974E-6 : f32
    %add3A_19 = vector.broadcast %add3A : f32 to vector<1000x1xf32>
    %add3A_20 = arith.addf %div3A_16, %add3A_19 : vector<1000x1xf32>
    %sqrt3A = math.sqrt %add3A_20 : vector<1000x1xf32>
    %div3A_21 = vector.broadcast %sqrt3A : vector<1000x1xf32> to vector<1000x256xf32>
    %div3A_22 = arith.divf %sub3A_18, %div3A_21 : vector<1000x256xf32>
    %get3A_23 = arith.constant 0 : index
    %get3A_24 = arith.constant 0 : index
    %get3A_25 = vector.load %arg3[%get3A_23, %get3A_24] : memref<1x256xf32, #tpu.memory_space<vmem>>, vector<1x256xf32>
    %mul3A = vector.broadcast %get3A_25 : vector<1x256xf32> to vector<1000x256xf32>
    %mul3A_26 = arith.mulf %div3A_22, %mul3A : vector<1000x256xf32>
    %get3A_27 = arith.constant 0 : index
    %get3A_28 = arith.constant 0 : index
    %get3A_29 = vector.load %arg4[%get3A_27, %get3A_28] : memref<1x256xf32, #tpu.memory_space<vmem>>, vector<1x256xf32>
    %add3A_30 = vector.broadcast %get3A_29 : vector<1x256xf32> to vector<1000x256xf32>
    %add3A_31 = arith.addf %mul3A_26, %add3A_30 : vector<1000x256xf32>
    %slice3A = vector.extract_strided_slice %add3A_31 {offsets = [0, 0], sizes = [1000, 128], strides = [1, 1]} : vector<1000x256xf32> to vector<1000x128xf32>
    %swap3A = arith.constant 0 : index
    %swap3A_32 = arith.constant 0 : index
    %swap3A_33 = vector.load %arg5[%swap3A, %swap3A_32] : memref<1000x128xf32, #tpu.memory_space<vmem>>, vector<1000x128xf32>
    tpu.vector_store %arg5[%swap3A, %swap3A_32], %slice3A {strides = array<i32>} : memref<1000x128xf32, #tpu.memory_space<vmem>>, vector<1000x128xf32>,
    %slice3A_34 = vector.extract_strided_slice %add3A_31 {offsets = [0, 128], sizes = [1000, 128], strides = [1, 1]} : vector<1000x256xf32> to vector<1000x128xf32>
    %swap3A_35 = arith.constant 0 : index
    %swap3A_36 = arith.constant 0 : index
    %swap3A_37 = vector.load %arg6[%swap3A_35, %swap3A_36] : memref<1000x128xf32, #tpu.memory_space<vmem>>, vector<1000x128xf32>
    tpu.vector_store %arg6[%swap3A_35, %swap3A_36], %slice3A_34 {strides = array<i32>} : memref<1000x128xf32, #tpu.memory_space<vmem>>, vector<1000x128xf32>,
    return
  }
  func.func @transform_0(%arg0: i32) -> (i32, i32) {
    %c0_i32 = arith.constant 0 : i32
    %c0_i32_0 = arith.constant 0 : i32
    return %arg0, %c0_i32 : i32, i32
  }
  func.func @transform_1(%arg0: i32) -> (i32, i32) {
    %c0_i32 = arith.constant 0 : i32
    %c0_i32_0 = arith.constant 0 : i32
    %c0_i32_1 = arith.constant 0 : i32
    return %c0_i32, %c0_i32_0 : i32, i32
  }
  func.func @transform_2(%arg0: i32) -> (i32, i32) {
    %c0_i32 = arith.constant 0 : i32
    %c0_i32_0 = arith.constant 0 : i32
    %c0_i32_1 = arith.constant 0 : i32
    return %c0_i32, %c0_i32_0 : i32, i32
  }
  func.func @transform_3(%arg0: i32) -> (i32, i32) {
    %c0_i32 = arith.constant 0 : i32
    %c0_i32_0 = arith.constant 0 : i32
    %c0_i32_1 = arith.constant 0 : i32
    return %c0_i32, %c0_i32_0 : i32, i32
  }
  func.func @transform_4(%arg0: i32) -> (i32, i32) {
    %c0_i32 = arith.constant 0 : i32
    %c0_i32_0 = arith.constant 0 : i32
    return %arg0, %c0_i32 : i32, i32
  }
  func.func @transform_5(%arg0: i32) -> (i32, i32) {
    %c0_i32 = arith.constant 0 : i32
    %c0_i32_0 = arith.constant 0 : i32
    return %arg0, %c0_i32 : i32, i32
  }
}

module attributes {stable_mosaic.version = 14 : i64} {
  func.func @_cell_body(%arg0: i32, %arg1: memref<10xi32, #tpu.memory_space<smem>>, %arg2: memref<10xi32, #tpu.memory_space<smem>>, %arg3: memref<1000x128xf32, #tpu.memory_space<vmem>>, %arg4: memref<1000x128xf32, #tpu.memory_space<vmem>>, %arg5: memref<1000x128xf32, #tpu.memory_space<vmem>>, %arg6: memref<1000x128xf32, #tpu.memory_space<vmem>>, %arg7: memref<256x1024xf32, #tpu.memory_space<vmem>>, %arg8: memref<256x1024xf32, #tpu.memory_space<vmem>>, %arg9: memref<1x1024xf32, #tpu.memory_space<vmem>>, %arg10: memref<1000x1xi32, #tpu.memory_space<vmem>>, %arg11: memref<64x256xf32, #tpu.memory_space<vmem>>, %arg12: memref<64x256xf32, #tpu.memory_space<vmem>>) attributes {dimension_semantics = [#tpu.dimension_semantics<arbitrary>], iteration_bounds = array<i64: 10>, scalar_prefetch = 0 : i64, scratch_operands = 1 : i64, tpu.core_type = #tpu.core_type<tc>, window_params = [{transform_indices = @transform_0, window_bounds = array<i64: 10>}, {transform_indices = @transform_1, window_bounds = array<i64: 10>}, {transform_indices = @transform_2, window_bounds = array<i64: 1000, 128>}, {transform_indices = @transform_3, window_bounds = array<i64: 1000, 128>}, {transform_indices = @transform_4, window_bounds = array<i64: 1000, 128>}, {transform_indices = @transform_5, window_bounds = array<i64: 1000, 128>}, {pipeline_mode = #tpu.pipeline_mode<synchronous>, transform_indices = @transform_6, window_bounds = array<i64: 256, 1024>}, {pipeline_mode = #tpu.pipeline_mode<synchronous>, transform_indices = @transform_7, window_bounds = array<i64: 256, 1024>}, {pipeline_mode = #tpu.pipeline_mode<synchronous>, transform_indices = @transform_8, window_bounds = array<i64: 1, 1024>}, {transform_indices = @transform_9, window_bounds = array<i64: 1000, 1>}, {pipeline_mode = #tpu.pipeline_mode<synchronous>, transform_indices = @transform_10, window_bounds = array<i64: 64, 256>}]} {
    %eq3A = arith.constant 0 : i32
    %eq3A_0 = arith.cmpi eq, %arg0, %eq3A : i32
    %convert_element_type3A = arith.extui %eq3A_0 : i1 to i32
    %cond3A = arith.constant 0 : i32
    %cond3A_1 = arith.cmpi ne, %convert_element_type3A, %cond3A : i32
    scf.if %cond3A_1 {
      %broadcast_in_dim3A = arith.constant 0xFF800000 : f32
      %broadcast_in_dim3A_80 = vector.broadcast %broadcast_in_dim3A : f32 to vector<64x256xf32>
      %swap3A = arith.constant 0 : index
      %swap3A_81 = arith.constant 0 : index
      %swap3A_82 = vector.load %arg12[%swap3A, %swap3A_81] : memref<64x256xf32, #tpu.memory_space<vmem>>, vector<64x256xf32>
      tpu.vector_store %arg12[%swap3A, %swap3A_81], %broadcast_in_dim3A_80 {strides = array<i32>} : memref<64x256xf32, #tpu.memory_space<vmem>>, vector<64x256xf32>,
    } else {
    }
    %get3A = arith.constant 0 : index
    %get3A_2 = arith.constant 0 : index
    %get3A_3 = vector.load %arg3[%get3A, %get3A_2] : memref<1000x128xf32, #tpu.memory_space<vmem>>, vector<1000x128xf32>
    %get3A_4 = arith.constant 0 : index
    %get3A_5 = arith.constant 0 : index
    %get3A_6 = vector.load %arg4[%get3A_4, %get3A_5] : memref<1000x128xf32, #tpu.memory_space<vmem>>, vector<1000x128xf32>
    %concatenate3A = tpu.concatenate %get3A_3, %get3A_6 in 1 : vector<1000x128xf32>, vector<1000x128xf32> -> vector<1000x256xf32>
    %get3A_7 = arith.constant 0 : index
    %get3A_8 = arith.constant 0 : index
    %get3A_9 = vector.load %arg5[%get3A_7, %get3A_8] : memref<1000x128xf32, #tpu.memory_space<vmem>>, vector<1000x128xf32>
    %get3A_10 = arith.constant 0 : index
    %get3A_11 = arith.constant 0 : index
    %get3A_12 = vector.load %arg6[%get3A_10, %get3A_11] : memref<1000x128xf32, #tpu.memory_space<vmem>>, vector<1000x128xf32>
    %concatenate3A_13 = tpu.concatenate %get3A_9, %get3A_12 in 1 : vector<1000x128xf32>, vector<1000x128xf32> -> vector<1000x256xf32>
    %convert_element_type3A_14 = arith.truncf %concatenate3A : vector<1000x256xf32> to vector<1000x256xbf16>
    %get3A_15 = arith.constant 0 : index
    %get3A_16 = arith.constant 0 : index
    %get3A_17 = vector.load %arg7[%get3A_15, %get3A_16] : memref<256x1024xf32, #tpu.memory_space<vmem>>, vector<256x1024xf32>
    %convert_element_type3A_18 = arith.truncf %get3A_17 : vector<256x1024xf32> to vector<256x1024xbf16>
    %dot_general3A = arith.constant dense<0.000000e+00> : vector<1000x1024xf32>
    %dot_general3A_19 = tpu.matmul %convert_element_type3A_14, %convert_element_type3A_18, %dot_general3A {dimension_numbers = #tpu.dot_dimension_numbers<[1], [0], [0], [1], [0, 0, 1, 1], [], []>, transpose_lhs_hint = false} : vector<1000x256xbf16>, vector<256x1024xbf16>, vector<1000x1024xf32> -> vector<1000x1024xf32>
    %convert_element_type3A_20 = arith.truncf %concatenate3A_13 : vector<1000x256xf32> to vector<1000x256xbf16>
    %get3A_21 = arith.constant 0 : index
    %get3A_22 = arith.constant 0 : index
    %get3A_23 = vector.load %arg8[%get3A_21, %get3A_22] : memref<256x1024xf32, #tpu.memory_space<vmem>>, vector<256x1024xf32>
    %convert_element_type3A_24 = arith.truncf %get3A_23 : vector<256x1024xf32> to vector<256x1024xbf16>
    %dot_general3A_25 = arith.constant dense<0.000000e+00> : vector<1000x1024xf32>
    %dot_general3A_26 = tpu.matmul %convert_element_type3A_20, %convert_element_type3A_24, %dot_general3A_25 {dimension_numbers = #tpu.dot_dimension_numbers<[1], [0], [0], [1], [0, 0, 1, 1], [], []>, transpose_lhs_hint = false} : vector<1000x256xbf16>, vector<256x1024xbf16>, vector<1000x1024xf32> -> vector<1000x1024xf32>
    %add3A = arith.addf %dot_general3A_19, %dot_general3A_26 : vector<1000x1024xf32>
    %get3A_27 = arith.constant 0 : index
    %get3A_28 = arith.constant 0 : index
    %get3A_29 = vector.load %arg9[%get3A_27, %get3A_28] : memref<1x1024xf32, #tpu.memory_space<vmem>>, vector<1x1024xf32>
    %add3A_30 = vector.broadcast %get3A_29 : vector<1x1024xf32> to vector<1000x1024xf32>
    %add3A_31 = arith.addf %add3A, %add3A_30 : vector<1000x1024xf32>
    %slice3A = vector.extract_strided_slice %add3A_31 {offsets = [0, 0], sizes = [1000, 256], strides = [1, 1]} : vector<1000x1024xf32> to vector<1000x256xf32>
    %logistic3A = arith.negf %slice3A : vector<1000x256xf32>
    %logistic3A_32 = math.exp %logistic3A : vector<1000x256xf32>
    %logistic3A_33 = arith.constant 1.000000e+00 : f32
    %logistic3A_34 = vector.broadcast %logistic3A_33 : f32 to vector<1000x256xf32>
    %logistic3A_35 = arith.addf %logistic3A_34, %logistic3A_32 : vector<1000x256xf32>
    %logistic3A_36 = arith.divf %logistic3A_34, %logistic3A_35 : vector<1000x256xf32>
    %slice3A_37 = vector.extract_strided_slice %add3A_31 {offsets = [0, 256], sizes = [1000, 256], strides = [1, 1]} : vector<1000x1024xf32> to vector<1000x256xf32>
    %logistic3A_38 = arith.negf %slice3A_37 : vector<1000x256xf32>
    %logistic3A_39 = math.exp %logistic3A_38 : vector<1000x256xf32>
    %logistic3A_40 = arith.constant 1.000000e+00 : f32
    %logistic3A_41 = vector.broadcast %logistic3A_40 : f32 to vector<1000x256xf32>
    %logistic3A_42 = arith.addf %logistic3A_41, %logistic3A_39 : vector<1000x256xf32>
    %logistic3A_43 = arith.divf %logistic3A_41, %logistic3A_42 : vector<1000x256xf32>
    %slice3A_44 = vector.extract_strided_slice %add3A_31 {offsets = [0, 512], sizes = [1000, 256], strides = [1, 1]} : vector<1000x1024xf32> to vector<1000x256xf32>
    %tanh3A = math.tanh %slice3A_44 : vector<1000x256xf32>
    %slice3A_45 = vector.extract_strided_slice %add3A_31 {offsets = [0, 768], sizes = [1000, 256], strides = [1, 1]} : vector<1000x1024xf32> to vector<1000x256xf32>
    %logistic3A_46 = arith.negf %slice3A_45 : vector<1000x256xf32>
    %logistic3A_47 = math.exp %logistic3A_46 : vector<1000x256xf32>
    %logistic3A_48 = arith.constant 1.000000e+00 : f32
    %logistic3A_49 = vector.broadcast %logistic3A_48 : f32 to vector<1000x256xf32>
    %logistic3A_50 = arith.addf %logistic3A_49, %logistic3A_47 : vector<1000x256xf32>
    %logistic3A_51 = arith.divf %logistic3A_49, %logistic3A_50 : vector<1000x256xf32>
    %mul3A = arith.mulf %logistic3A_36, %tanh3A : vector<1000x256xf32>
    %mul3A_52 = arith.mulf %logistic3A_43, %concatenate3A_13 : vector<1000x256xf32>
    %add3A_53 = arith.addf %mul3A, %mul3A_52 : vector<1000x256xf32>
    %tanh3A_54 = math.tanh %add3A_53 : vector<1000x256xf32>
    %mul3A_55 = arith.mulf %logistic3A_51, %tanh3A_54 : vector<1000x256xf32>
    %get3A_56 = arith.constant 0 : index
    %get3A_57 = arith.constant 0 : index
    %get3A_58 = vector.load %arg10[%get3A_56, %get3A_57] : memref<1000x1xi32, #tpu.memory_space<vmem>>, vector<1000x1xi32>
    %get3A_59 = arith.index_cast %arg0 : i32 to index
    %get3A_60 = memref.load %arg1[%get3A_59] : memref<10xi32, #tpu.memory_space<smem>>
    %get3A_61 = arith.index_cast %arg0 : i32 to index
    %get3A_62 = memref.load %arg2[%get3A_61] : memref<10xi32, #tpu.memory_space<smem>>
    %add3A_63 = arith.constant 1 : i32
    %add3A_64 = arith.addi %get3A_62, %add3A_63 : i32
    %while3A = arith.constant 0 : i32
    %while3A_65 = arith.subi %add3A_64, %get3A_60 : i32
    %while3A_66 = arith.addi %get3A_60, %while3A_65 : i32
    %while3A_67 = arith.constant 1 : i32
    %while3A_68 = arith.divsi %while3A_65, %while3A_67 : i32
    %while3A_69 = arith.muli %while3A_68, %while3A_67 : i32
    %while3A_70 = arith.addi %get3A_60, %while3A_69 : i32
    %while3A_71 = arith.constant 1 : i32
    %while3A_72 = scf.for %while3A_80 = %get3A_60 to %while3A_70 step %while3A_71 iter_args(%while3A_81 = %while3A) -> (i32)  : i32 {
      %eq3A_82 = vector.broadcast %while3A_80 : i32 to vector<1000x1xi32>
      %eq3A_83 = arith.cmpi eq, %get3A_58, %eq3A_82 : vector<1000x1xi32>
      %jit3A = arith.constant 0xFF800000 : f32
      %broadcast_in_dim3A = vector.shape_cast %eq3A_83 : vector<1000x1xi1> to vector<1000x1xi1>
      %broadcast_in_dim3A_84 = vector.broadcast %broadcast_in_dim3A : vector<1000x1xi1> to vector<1000x256xi1>
      %broadcast_in_dim3A_85 = vector.broadcast %jit3A : f32 to vector<1000x256xf32>
      %select_n3A = arith.select %broadcast_in_dim3A_84, %mul3A_55, %broadcast_in_dim3A_85 : vector<1000x256xi1>, vector<1000x256xf32>
      %reduce_max3A = arith.constant dense<0xFF800000> : vector<256xf32>
      %reduce_max3A_86 = vector.multi_reduction <maximumf>, %select_n3A, %reduce_max3A [0] : vector<1000x256xf32> to vector<256xf32>
      %broadcast_in_dim3A_87 = vector.shape_cast %reduce_max3A_86 : vector<256xf32> to vector<1x256xf32>
      %get3A_88 = arith.index_cast %while3A_80 : i32 to index
      %get3A_89 = arith.constant 0 : index
      %get3A_90 = vector.load %arg12[%get3A_88, %get3A_89] : memref<64x256xf32, #tpu.memory_space<vmem>>, vector<1x256xf32>
      %max3A = arith.maximumf %get3A_90, %broadcast_in_dim3A_87 : vector<1x256xf32>
      %swap3A = arith.index_cast %while3A_80 : i32 to index
      %swap3A_91 = arith.constant 0 : index
      %swap3A_92 = vector.load %arg12[%swap3A, %swap3A_91] : memref<64x256xf32, #tpu.memory_space<vmem>>, vector<1x256xf32>
      tpu.vector_store %arg12[%swap3A, %swap3A_91], %max3A {strides = array<i32>} : memref<64x256xf32, #tpu.memory_space<vmem>>, vector<1x256xf32>,
      %while3A_93 = arith.constant 0 : i32
      scf.yield %while3A_93 : i32
    }
    %while3A_73 = arith.constant 1 : i32
    %while3A_74 = scf.for %while3A_80 = %while3A_70 to %while3A_66 step %while3A_73 iter_args(%while3A_81 = %while3A_72) -> (i32)  : i32 {
      %eq3A_82 = vector.broadcast %while3A_80 : i32 to vector<1000x1xi32>
      %eq3A_83 = arith.cmpi eq, %get3A_58, %eq3A_82 : vector<1000x1xi32>
      %jit3A = arith.constant 0xFF800000 : f32
      %broadcast_in_dim3A = vector.shape_cast %eq3A_83 : vector<1000x1xi1> to vector<1000x1xi1>
      %broadcast_in_dim3A_84 = vector.broadcast %broadcast_in_dim3A : vector<1000x1xi1> to vector<1000x256xi1>
      %broadcast_in_dim3A_85 = vector.broadcast %jit3A : f32 to vector<1000x256xf32>
      %select_n3A = arith.select %broadcast_in_dim3A_84, %mul3A_55, %broadcast_in_dim3A_85 : vector<1000x256xi1>, vector<1000x256xf32>
      %reduce_max3A = arith.constant dense<0xFF800000> : vector<256xf32>
      %reduce_max3A_86 = vector.multi_reduction <maximumf>, %select_n3A, %reduce_max3A [0] : vector<1000x256xf32> to vector<256xf32>
      %broadcast_in_dim3A_87 = vector.shape_cast %reduce_max3A_86 : vector<256xf32> to vector<1x256xf32>
      %get3A_88 = arith.index_cast %while3A_80 : i32 to index
      %get3A_89 = arith.constant 0 : index
      %get3A_90 = vector.load %arg12[%get3A_88, %get3A_89] : memref<64x256xf32, #tpu.memory_space<vmem>>, vector<1x256xf32>
      %max3A = arith.maximumf %get3A_90, %broadcast_in_dim3A_87 : vector<1x256xf32>
      %swap3A = arith.index_cast %while3A_80 : i32 to index
      %swap3A_91 = arith.constant 0 : index
      %swap3A_92 = vector.load %arg12[%swap3A, %swap3A_91] : memref<64x256xf32, #tpu.memory_space<vmem>>, vector<1x256xf32>
      tpu.vector_store %arg12[%swap3A, %swap3A_91], %max3A {strides = array<i32>} : memref<64x256xf32, #tpu.memory_space<vmem>>, vector<1x256xf32>,
      %while3A_93 = arith.constant 0 : i32
      scf.yield %while3A_93 : i32
    }
    %eq3A_75 = arith.constant 9 : i32
    %eq3A_76 = arith.cmpi eq, %arg0, %eq3A_75 : i32
    %convert_element_type3A_77 = arith.extui %eq3A_76 : i1 to i32
    %cond3A_78 = arith.constant 0 : i32
    %cond3A_79 = arith.cmpi ne, %convert_element_type3A_77, %cond3A_78 : i32
    scf.if %cond3A_79 {
      %get3A_80 = arith.constant 0 : index
      %get3A_81 = arith.constant 0 : index
      %get3A_82 = vector.load %arg12[%get3A_80, %get3A_81] : memref<64x256xf32, #tpu.memory_space<vmem>>, vector<64x256xf32>
      %swap3A = arith.constant 0 : index
      %swap3A_83 = arith.constant 0 : index
      %swap3A_84 = vector.load %arg11[%swap3A, %swap3A_83] : memref<64x256xf32, #tpu.memory_space<vmem>>, vector<64x256xf32>
      tpu.vector_store %arg11[%swap3A, %swap3A_83], %get3A_82 {strides = array<i32>} : memref<64x256xf32, #tpu.memory_space<vmem>>, vector<64x256xf32>,
    } else {
    }
    return
  }
  func.func @transform_0(%arg0: i32) -> i32 {
    %c0_i32 = arith.constant 0 : i32
    %c0_i32_0 = arith.constant 0 : i32
    return %c0_i32 : i32
  }
  func.func @transform_1(%arg0: i32) -> i32 {
    %c0_i32 = arith.constant 0 : i32
    %c0_i32_0 = arith.constant 0 : i32
    return %c0_i32 : i32
  }
  func.func @transform_2(%arg0: i32) -> (i32, i32) {
    %c0_i32 = arith.constant 0 : i32
    %c0_i32_0 = arith.constant 0 : i32
    return %arg0, %c0_i32 : i32, i32
  }
  func.func @transform_3(%arg0: i32) -> (i32, i32) {
    %c0_i32 = arith.constant 0 : i32
    %c0_i32_0 = arith.constant 0 : i32
    return %arg0, %c0_i32 : i32, i32
  }
  func.func @transform_4(%arg0: i32) -> (i32, i32) {
    %c0_i32 = arith.constant 0 : i32
    %c0_i32_0 = arith.constant 0 : i32
    return %arg0, %c0_i32 : i32, i32
  }
  func.func @transform_5(%arg0: i32) -> (i32, i32) {
    %c0_i32 = arith.constant 0 : i32
    %c0_i32_0 = arith.constant 0 : i32
    return %arg0, %c0_i32 : i32, i32
  }
  func.func @transform_6(%arg0: i32) -> (i32, i32) {
    %c0_i32 = arith.constant 0 : i32
    %c0_i32_0 = arith.constant 0 : i32
    %c0_i32_1 = arith.constant 0 : i32
    return %c0_i32, %c0_i32_0 : i32, i32
  }
  func.func @transform_7(%arg0: i32) -> (i32, i32) {
    %c0_i32 = arith.constant 0 : i32
    %c0_i32_0 = arith.constant 0 : i32
    %c0_i32_1 = arith.constant 0 : i32
    return %c0_i32, %c0_i32_0 : i32, i32
  }
  func.func @transform_8(%arg0: i32) -> (i32, i32) {
    %c0_i32 = arith.constant 0 : i32
    %c0_i32_0 = arith.constant 0 : i32
    %c0_i32_1 = arith.constant 0 : i32
    return %c0_i32, %c0_i32_0 : i32, i32
  }
  func.func @transform_9(%arg0: i32) -> (i32, i32) {
    %c0_i32 = arith.constant 0 : i32
    %c0_i32_0 = arith.constant 0 : i32
    return %arg0, %c0_i32 : i32, i32
  }
  func.func @transform_10(%arg0: i32) -> (i32, i32) {
    %c0_i32 = arith.constant 0 : i32
    %c0_i32_0 = arith.constant 0 : i32
    %c0_i32_1 = arith.constant 0 : i32
    return %c0_i32, %c0_i32_0 : i32, i32
  }
}

</mosaic_0001>

<sc_bundles>
// kernel: kernel.5.cloned.1.call-start
scs
__scs_entry_jumppad:
0x0: {  	(pc) =	sbr.rel $0x88, $3  }
0x1: {  	(tag) =	ssettag $0x0;
	lr =	simm.s32 $0x1  }
0x2: {  	[smem:$0x3F98] =	sst lr;
	_ =	strace $0xD0000000  }
0x3: {  	_ = 	snop  }
0x4: {  	_ = 	snop  }
0x5: {  	_ = 	snop  }
0x6: {  	_ = 	snop  }
0x7: {  	_ = 	snop  }
__scs_overlays_trampoline_lowered:
0x8: {  	[smem:$0x3FA7] =	sst s0  }
0x9: {  	[smem:$0x3FA8] =	sst s1  }
0xa: {  	[smem:$0x3FA9] =	sst s2  }
0xb: {  	[smem:$0x3FAA] =	sst s3  }
0xc: {  	[smem:$0x3FAB] =	sst s4  }
0xd: {  	[smem:$0x3FAC] =	sst s5  }
0xe: {  	[smem:$0x3FAD] =	sst s6  }
0xf: {  	[smem:$0x3FAE] =	sst s7  }
0x10: {  	[smem:$0x3FAF] =	sst s8  }
0x11: {  	[smem:$0x3FB0] =	sst s9;
	s0 =	simm.s32 @!p0 $0x0  }
0x12: {  	s1 =	sld [smem:$0x3F96];
	s0 =	simm.s32 @p0 $0x1  }
0x13: {  	[smem:$0x3FB1] =	sst s0;
	s0 =	simm.s32 @!p1 $0x0  }
0x14: {  	s2 =	sld [smem:$0x3F95];
	s0 =	simm.s32 @p1 $0x1  }
0x15: {  	[smem:$0x3FB2] =	sst s0;
	s0 =	simm.s32 @!p2 $0x0  }
0x16: {  	s3 =	sld [smem:$0x3FDB];
	s0 =	simm.s32 @p2 $0x1  }
0x17: {  	s4 =	simm.s32 $0x1BF5;
	[smem:$0x3FB4] =	sst s0  }
0x18: {  	s0 =	sld [smem:$0x3F97];
	_ =	swait.ge [sflag:s4], $0x0  }
0x19: {  	s7 =	sld [smem:$0x3F98]  }
0x1a: {  	s8 =	sadd.s32 $0xFFFFE003, lr  }
0x1b: {  	s9 =	sadd.s32 $0xFFFFFEF7, lr;
	s5 =	simm.s32 $0xFFFFFFFF;
	p2 =	slt.u32 s8, $0xFFFFF086  }
0x1c: {  	p1 =	slt.u32 s9, $0xF7A;
	s5 =	simm.s32 @!p2 $0x0  }
0x1d: {  	s5 =	simm.s32 @p1 $0x1;
	p0 =	seq.s32 s7, s2  }
0x1e: {  	s7 =	smul.u32 @!p0 $0xF7A, s2;
	p2 =	seq.s32 @!p0 s5, $0x0  }
0x1f: {  	s9 =	smul.u32 $0xF7A, s1;
	s8 =	simm.s32 @!p0 $0x1BF5;
	p2 =	por !p2, p0  }
0x20: {  	[sflag:s8] =	ssyncset.s32 @!p0 $0xFFFFF086;
	s6 =	sadd.s32 @!p0 s3, s7;
	s7 =	simm.s32 @!p0 $0x108  }
0x21: {  	s3 =	sadd.s32 s3, s9;
	s6 =	sadd.s32 @!p0 $0x88, s6;
	s7 =	simm.s32 @p2 $0x1082  }
0x22: {  	[simem:s7], [sflag:s8] =	dma.local @!p0 [hbm:s6], $0xF7A  }
0x23: {  	s9 =	sor.u32 $0xD0000000, s2;
	s6 =	simm.s32 $0x108;
	_ =	swait.ge @!p0 [sflag:s8], $0x0  }
0x24: {  	s3 =	sadd.s32 $0x88, s3;
	s6 =	simm.s32 @!p1 $0x1082;
	[sflag:s4] =	ssyncset.s32 $0xFFFFF086  }
0x25: {  	[simem:s6], [sflag:s4] =	dma.local [hbm:s3], $0xF7A  }
0x26: {  	[smem:$0x3F98] =	sst s1;
	(tag) =	ssettag s2;
	_ =	strace s9  }
0x27: {  	s1 =	sld [smem:$0x3FA8]  }
0x28: {  	s2 =	sld [smem:$0x3FA9]  }
0x29: {  	s4 =	sld [smem:$0x3FAB]  }
0x2a: {  	p0 =	seq.s32 s5, $0x0;
	s5 =	sld [smem:$0x3FAC]  }
0x2b: {  	s6 =	sld [smem:$0x3FAD]  }
0x2c: {  	s7 =	sld [smem:$0x3FAE]  }
0x2d: {  	s3 =	simm.s32 $0x108;
	s8 =	sld [smem:$0x3FAF]  }
0x2e: {  	s3 =	simm.s32 @!p0 $0x1082;
	s9 =	sld [smem:$0x3FB0]  }
0x2f: {  	lr =	sadd.s32 s0, s3;
	s0 =	sld [smem:$0x3FA7]  }
0x30: {  	s3 =	sld [smem:$0x3FAA]  }
0x31: {  	[smem:$0x3FB3] =	sst s10  }
0x32: {  	s10 =	sld [smem:$0x3FB1];
	_ =	sdelay $0x3  }
0x33: {  	p0 =	seq.s32 s10, $0x1;
	s10 =	sld [smem:$0x3FB3];
	_ =	sdelay $0x3  }
0x34: {  	[smem:$0x3FB3] =	sst s10  }
0x35: {  	s10 =	sld [smem:$0x3FB2];
	_ =	sdelay $0x3  }
0x36: {  	p1 =	seq.s32 s10, $0x1;
	s10 =	sld [smem:$0x3FB3];
	_ =	sdelay $0x3  }
0x37: {  	[smem:$0x3FB3] =	sst s10  }
0x38: {  	s10 =	sld [smem:$0x3FB4]  }
0x39: {  	_ = 	snop;
	(pc) =	sbr.ind lr, $3  }
0x3a: {  	_ = 	snop  }
0x3b: {  	_ = 	snop  }
0x3c: {  	p2 =	seq.s32 s10, $0x1;
	s10 =	sld [smem:$0x3FB3]  }
0x3d: {  	_ =	shalt  }
0x3e: {  	_ =	shalt  }
0x3f: {  	_ =	shalt  }
0x40: {  	_ =	shalt  }
0x41: {  	_ =	shalt  }
0x42: {  	_ =	shalt  }
0x43: {  	_ =	shalt  }
0x44: {  	_ =	shalt  }
0x45: {  	_ =	shalt  }
0x46: {  	_ =	shalt  }
0x47: {  	_ =	shalt  }
0x48: {  	_ =	shalt  }
0x49: {  	_ =	shalt  }
0x4a: {  	_ =	shalt  }
0x4b: {  	_ =	shalt  }
0x4c: {  	_ =	shalt  }
0x4d: {  	_ =	shalt  }
0x4e: {  	_ =	shalt  }
0x4f: {  	_ =	shalt  }
0x50: {  	_ =	shalt  }
0x51: {  	_ =	shalt  }
0x52: {  	_ =	shalt  }
0x53: {  	_ =	shalt  }
0x54: {  	_ =	shalt  }
0x55: {  	_ =	shalt  }
0x56: {  	_ =	shalt  }
0x57: {  	_ =	shalt  }
0x58: {  	_ =	shalt  }
0x59: {  	_ =	shalt  }
0x5a: {  	_ =	shalt  }
0x5b: {  	_ =	shalt  }
0x5c: {  	_ =	shalt  }
0x5d: {  	_ =	shalt  }
0x5e: {  	_ =	shalt  }
0x5f: {  	_ =	shalt  }
0x60: {  	_ =	shalt  }
0x61: {  	_ =	shalt  }
0x62: {  	_ =	shalt  }
0x63: {  	_ =	shalt  }
0x64: {  	_ =	shalt  }
0x65: {  	_ =	shalt  }
0x66: {  	_ =	shalt  }
0x67: {  	_ =	shalt  }
0x68: {  	_ =	shalt  }
0x69: {  	_ =	shalt  }
0x6a: {  	_ =	shalt  }
0x6b: {  	_ =	shalt  }
0x6c: {  	_ =	shalt  }
0x6d: {  	_ =	shalt  }
0x6e: {  	_ =	shalt  }
0x6f: {  	_ =	shalt  }
0x70: {  	_ =	shalt  }
0x71: {  	_ =	shalt  }
0x72: {  	_ =	shalt  }
0x73: {  	_ =	shalt  }
0x74: {  	_ =	shalt  }
0x75: {  	_ =	shalt  }
0x76: {  	_ =	shalt  }
0x77: {  	_ =	shalt  }
0x78: {  	_ =	shalt  }
0x79: {  	_ =	shalt  }
0x7a: {  	_ =	shalt  }
0x7b: {  	_ =	shalt  }
0x7c: {  	_ =	shalt  }
0x7d: {  	_ =	shalt  }
0x7e: {  	_ =	shalt  }
0x7f: {  	_ =	shalt  }
0x80: {  	_ =	shalt  }
0x81: {  	_ =	shalt  }
0x82: {  	_ =	shalt  }
0x83: {  	_ =	shalt  }
0x84: {  	_ =	shalt  }
0x85: {  	_ =	shalt  }
0x86: {  	_ =	shalt  }
0x87: {  	_ =	shalt  }
.Lfunc_end0:
.L_simem_size_0:
called_computation_lowered:
.L_overlay_start_0:
0x88: {  	s2 =	sld [smem:$0x3FD9]  }
0x89: {  	s3 =	sld [smem:$0x3FFE];
	_ =	sdelay $0x1  }
0x8a: {  	s1 =	srdreg.scid  }
0x8b: {  	s0 =	sand.u32 $0x1, s1  }
0x8c: {  	s16 =	sshll.u32 s0, $0xA;
	s2 =	sadd.s32 s3, s2  }
0x8d: {  	s2 =	sadd.s32 s2, s16  }
0x8e: {  	[smem:$0x3FBF] =	sst s2  }
0x8f: {  	_ = 	snop  }
0x90: {  	(tm) =	ssettm $0x1  }
0x91: {  	s17 =	sld [smem:$0x3FFB];
	_ =	sdelay $0x3  }
0x92: {  	_ =	strace s17  }
0x93: {  	s2 =	sld [smem:$0x3FFC];
	_ =	sdelay $0x3  }
0x94: {  	_ =	strace s2  }
0x95: {  	s2 =	sld [smem:$0x3FFD];
	_ =	sdelay $0x3  }
0x96: {  	_ =	strace s2  }
0x97: {  	_ =	strace $0x8FFFFFFF  }
0x98: {  	s18 =	sld [smem:$0x3FDB];
	_ =	sdelay $0x1  }
0x99: {  	s19 =	simm.s32 $_scs_section_size  }
0x9a: {  	s4 =	simm.s32 $_size__tile_overlayer_lowered;
	s5 =	simm.s32 $_tile_overlayer_lowered  }
0x9b: {  	s22 =	simm.s32 $0x1BFF;
	s21 =	sshll.u32 s5, $0x1;
	s2 =	sadd.s32 s19, s18  }
0x9c: {  	s6 =	simm.s32 $0x0;
	s20 =	sshll.u32 s4, $0x1;
	s4 =	sadd.s32 s21, s2  }
0x9d: {  	[timem:s6], [sflag:s22] =	dma.local [hbm:s4], s20  }
0x9e: {  	_ =	swait.ge [sflag:s22], s20  }
0x9f: {  	s3 =	ssub.s32 $0x0, s20;
	[sflag:s22] =	ssyncset.done $0x0  }
0xa0: {  	[sflag:s22] =	ssyncadd.s32 s3;
	_ =	sdelay $0x1  }
0xa1: {  	s23 =	simm.s32 $0x1B8B  }
0xa2: {  	_ =	swait.ge [sflag:s23], $0x1  }
0xa3: {  	[sflag:s23] =	ssyncset.done $0x0  }
0xa4: {  	s25 =	simm.s32 $0x1B8E;
	s24 =	sld [smem:$0x3FFE];
	[sflag:s23] =	ssyncadd.s32 $0xFFFFFFFF  }
0xa5: {  	s26 =	simm.s32 $execute0_lowered;
	[smem:$0x3FD2] =	sst s25  }
0xa6: {  	s4 =	sshll.u32 s26, $0x1;
	_ =	strace $0x80000046;
	[dreg:$0x1] =	wrdreg $0xFFFFFFFF  }
0xa7: {  	s28 =	simm.s32 $_size_execute0_lowered;
	s2 =	sadd.s32 s2, s4;
	[dreg:$0x0] =	wrdreg $0x0  }
0xa8: {  	s4 =	sshll.u32 s28, $0x1;
	[dreg:$0x2] =	wrdreg s2  }
0xa9: {  	[dreg:$0x3] =	wrdreg s4  }
0xaa: {  	[dreg:$0x4] =	wrdreg $0xC0  }
0xab: {  	_ =	task [dreg:s6], $0x5FFFF  }
0xac: {  	[dreg:$0x1] =	wrdreg $0xFFFFFFFF  }
0xad: {  	[dreg:$0x0] =	wrdreg $0x60  }
0xae: {  	[dreg:$0x2] =	wrdreg s24  }
0xaf: {  	[dreg:$0x3] =	wrdreg $0xBA000  }
0xb0: {  	[dreg:$0x4] =	wrdreg $0x9  }
0xb1: {  	_ =	task.clear_ibuf [dreg:s6], $0x5FFFF;
	_ =	strace $0x90000046  }
0xb2: {  	s29 =	simm.s32 $0x9;
	_ =	strace $0x80000048  }
0xb3: {  	_ =	swait.ge [sflag:s29], $0x1  }
0xb4: {  	[sflag:s29] =	ssyncadd.s32 $0xFFFFFFFF  }
0xb5: {  	_ =	strace $0x90000048  }
0xb6: {  	_ =	sfence  }
0xb7: {  	s30 =	sld [smem:$0x0];
	_ =	sdelay $0x2  }
0xb8: {  	s31 =	sshll.u32 s1, $0xD;
	s1 =	sshrl.u32 s1, $0x2  }
0xb9: {  	s3 =	sand.u32 $0x4000, s31;
	s1 =	sadd.s32 s1, s30  }
0xba: {  	s0 =	sor.u32 s3, s0;
	s1 =	sshll.u32 s1, $0x11  }
0xbb: {  	s0 =	sor.u32 s1, s0  }
0xbc: {  	s0 =	sadd.s32 $0x8F2B, s0  }
0xbd: {  	[sflag:s0] =	ssyncadd.remote.s32 $0x1  }
0xbe: {  	_ =	sfence.sel $0xFFFF  }
0xbf: {  	[dreg:$0x0] =	wrdreg $0xFFFFFFFF;
	(pc) =	sbr.abs _section_cstart, $3  }
0xc0: {  	[dreg:$0x1] =	wrdreg $0xFFFFFFFF  }
0xc1: {  	_ =	task.clear_ibuf [dreg:s6], $0x2FFFF;
	_ =	strace $0x9FFFFFFF  }
0xc2: {  	(tm) =	ssettm $0x7FFFFFFF  }
0xc3: {  	_ =	shalt  }
tec
execute0_lowered:
.L_overlay_start_1:
0x0: {  	(tag) =	ssettag $0x1  }
0x1: {  	s0 =	rddreg [dreg:$0x0]  }
0x2: {  	s1 =	rddreg [dreg:$0x1];
	s3 =	simm.s32 $0x0;
	s13 =	stileid.u32  }
0x3: {  	s5 =	srdreg.scid;
	s28 =	simm.s32 $0xB0;
	s29 =	simm.s32 $0x800  }
0x4: {  	s30 =	simm.s32 $0x200;
	s31 =	simm.s32 $0x600;
	[smem:$0x7FF] =	sst s3  }
0x5: {  	s2 =	sadd.s32 $0x7400, s0;
	s6 =	sadd.s32 $0x2400, s0;
	s7 =	smul.u32 $0x2700, s13  }
0x6: {  	s4 =	sadd.s32 $0x33600, s0;
	s8 =	sand.u32 $0x1, s5;
	s9 =	smul.u32 $0x4E000, s13  }
0x7: {  	s5 =	sadd.s32 $0xC400, s0;
	s12 =	smul.u32 $0x2710, s13;
	s15 =	sadd.s32 $0x124800, s1  }
0x8: {  	s17 =	sadd.s32 $0x7F100, s0;
	s24 =	sadd.s32 $0xA6300, s0;
	s25 =	smul.u32 $0x4E2, s13  }
0x9: {  	p1 =	seq.s32 s13, $0xF;
	_ =	strace $0x80000047;
	[dreg:$0x5] =	wrdreg s15  }
0xa: {  	s10 =	ssub.s32 $0x2, s8;
	p0 =	seq.s32 s8, $0x1;
	[dreg:$0x6] =	wrdreg s17  }
0xb: {  	[dreg:$0xe] =	wrdreg s24;
	s24 =	simm.s32 $0x100;
	s7 =	sadd.s32 s7, s0  }
0xc: {  	s11 =	sshrl.u32 s10, $0x1;
	s9 =	sshrl.u32 s9, $0x2;
	s0 =	sadd.s32 $0xCD500, s0  }
0xd: {  	s10 =	ssub.s32 s10, s11;
	s11 =	sadd.s32 s9, s1;
	[dreg:$0x10] =	wrdreg s0  }
0xe: {  	s16 =	sshrl.u32 s12, $0x3;
	s14 =	sadd.s32 $0x5A800, s7;
	[dreg:$0x3] =	wrdreg s11  }
0xf: {  	s17 =	simm.s32 $0x1;
	s18 =	sadd.s32 s2, s16;
	[dreg:$0x4] =	wrdreg s14  }
0x10: {  	s12 =	simm.s32 $0x0;
	s20 =	sadd.s32 s6, s16;
	[dreg:$0x7] =	wrdreg s18  }
0x11: {  	s19 =	sadd.s32 $0x16, s16;
	s23 =	sadd.s32 $0x81A00, s7;
	[dreg:$0x8] =	wrdreg s20  }
0x12: {  	s8 =	sadd.s32 $0x4D0, s16;
	s7 =	sadd.s32 $0xA8C00, s7;
	[dreg:$0xd] =	wrdreg s23  }
0x13: {  	s0 =	simm.s32 $0x4;
	s21 =	sadd.s32 s2, s19;
	[dreg:$0xf] =	wrdreg s7  }
0x14: {  	s16 =	simm.s32 $0x6000;
	s9 =	sadd.s32 s6, s19;
	[dreg:$0x9] =	wrdreg s21  }
0x15: {  	s22 =	sadd.s32 s2, s8;
	s8 =	sadd.s32 s6, s8;
	[dreg:$0xa] =	wrdreg s9  }
.Ltmp0:
0x16: {  	s26 =	smax.u32 s10, $0x1;
	[dreg:$0xb] =	wrdreg s22;
	(pc) =	sbr.rel .LBB2_1-.Ltmp0, $4  }
0x17: {  	s23 =	simm.s32 $0x400;
	s18 =	simm.s32 $0x7;
	[dreg:$0xc] =	wrdreg s8  }
0x18: {  	s19 =	simm.s32 $0x300;
	s7 =	simm.s32 $0x2;
	[dreg:$0x11] =	wrdreg s26  }
0x19: {  	s21 =	sadd.s32 s25, s6;
	s22 =	sadd.s32 s25, s2;
	s25 =	simm.s32 $0x500  }
0x1a: {  	s2 =	simm.s32 $0x700;
	s6 =	simm.s32 $0x5;
	s8 =	simm.s32 $0x6  }
.LBB2_7:
0x1b: {  	s9 =	sadd.s32 $0x2C, s11;
	s10 =	sadd.s32 s20, s21;
	[sflag:s18] =	ssyncadd.s32 $0xFFFFA800  }
0x1c: {  	[tilespmem:s30], [sflag:$0x5] =	stream.linear.gather [hbm4b:s9+s3], $0xB0, $0x38;
	[tilespmem:$0x1F280] =	vst v63  }
0x1d: {  	s14 =	sadd.s32 $0x2C, s10  }
0x1e: {  	[tilespmem:s31], [sflag:$0x5] =	stream.linear.gather [hbm4b:s14+s3], $0xB0, $0x38;
	[tilespmem:$0x1F280] =	vst v63  }
0x1f: {  	_ =	swait.ge [sflag:s0], $0xB0  }
0x20: {  	[sflag:s0] =	ssyncset.done $0x0  }
0x21: {  	[sflag:s0] =	ssyncadd.s32 $0xFFFFFF50  }
0x22: {  	_ =	swait.ge [sflag:s0], $0xB0  }
0x23: {  	[sflag:s0] =	ssyncset.done $0x0  }
0x24: {  	[sflag:s0] =	ssyncadd.s32 $0xFFFFFF50  }
0x25: {  	[tilespmem:s16], [sflag:$0x2] =	stream.indirect.gather [hbm4b:s5+s28], $0x80, s24, s28, $0xb8;
	[tilespmem:$0x1F280] =	vst v63  }
0x26: {  	_ =	swait.ge [sflag:s17], $0x5800  }
0x27: {  	[sflag:s17] =	ssyncset.done $0x0  }
0x28: {  	[sflag:s17] =	ssyncadd.s32 $0xFFFFA800  }
0x29: {  	[spmem:s1] =	stream.indirect.scatter.add.f32 [tilespmem:s29], [sflag:$0x7], $0x80, s23, s28, $0xb8;
	[tilespmem:$0x1F280] =	vst v63  }
0x2a: {  	_ =	swait.ge [sflag:s18], $0x5800  }
0x2b: {  	[sflag:s18] =	ssyncset.done $0x0  }
0x2c: {  	s26 =	sadd.s32 $0x42, s11;
	[sflag:s18] =	ssyncadd.s32 $0xFFFFA800  }
0x2d: {  	[tilespmem:s19], [sflag:$0x6] =	stream.linear.gather [hbm4b:s26+s3], $0xB0, $0x38;
	[tilespmem:$0x1F280] =	vst v63  }
0x2e: {  	s10 =	sadd.s32 $0x42, s10  }
0x2f: {  	[tilespmem:s2], [sflag:$0x6] =	stream.linear.gather [hbm4b:s10+s3], $0xB0, $0x38;
	[tilespmem:$0x1F280] =	vst v63  }
0x30: {  	_ =	swait.ge [sflag:s6], $0xB0  }
0x31: {  	[sflag:s6] =	ssyncset.done $0x0  }
0x32: {  	[sflag:s6] =	ssyncadd.s32 $0xFFFFFF50  }
0x33: {  	_ =	swait.ge [sflag:s6], $0xB0  }
0x34: {  	[sflag:s6] =	ssyncset.done $0x0  }
0x35: {  	[sflag:s6] =	ssyncadd.s32 $0xFFFFFF50  }
0x36: {  	[tilespmem:s29], [sflag:$0x1] =	stream.indirect.gather [hbm4b:s5+s28], $0x80, s30, s28, $0xb8;
	[tilespmem:$0x1F280] =	vst v63  }
0x37: {  	_ =	swait.ge [sflag:s7], $0x5800  }
0x38: {  	[sflag:s7] =	ssyncset.done $0x0  }
0x39: {  	[sflag:s7] =	ssyncadd.s32 $0xFFFFA800  }
0x3a: {  	[spmem:s1] =	stream.indirect.scatter.add.f32 [tilespmem:s16], [sflag:$0x7], $0x80, s25, s28, $0xb8;
	[tilespmem:$0x1F280] =	vst v63  }
0x3b: {  	p2 =	seq.s32 s20, $0x478;
	_ =	swait.ge [sflag:s18], $0x5800  }
0x3c: {  	s9 =	sadd.s32 @!p2 s20, s22;
	s13 =	simm.s32 @!p2 $0x0;
	[sflag:s18] =	ssyncset.done $0x0  }
0x3d: {  	s11 =	sadd.s32 @!p2 $0x58, s9;
	s10 =	sadd.s32 @!p2 s20, s21;
	[sflag:s18] =	ssyncadd.s32 $0xFFFFA800  }
0x3e: {  	[tilespmem:s13], [sflag:$0x3] =	stream.linear.gather @!p2 [hbm4b:s11+s13], $0xB0, $0x38;
	[tilespmem:$0x1F280] =	vst v63  }
0x3f: {  	s14 =	simm.s32 @!p2 $0x400;
	s11 =	sadd.s32 @!p2 $0x58, s10  }
0x40: {  	[tilespmem:s14], [sflag:$0x3] =	stream.linear.gather @!p2 [hbm4b:s11+s13], $0xB0, $0x38;
	[tilespmem:$0x1F280] =	vst v63  }
0x41: {  	_ =	swait.ge [sflag:s8], $0xB0  }
0x42: {  	[sflag:s8] =	ssyncset.done $0x0  }
0x43: {  	[sflag:s8] =	ssyncadd.s32 $0xFFFFFF50  }
0x44: {  	_ =	swait.ge [sflag:s8], $0xB0  }
0x45: {  	[sflag:s8] =	ssyncset.done $0x0  }
0x46: {  	[sflag:s8] =	ssyncadd.s32 $0xFFFFFF50  }
0x47: {  	[tilespmem:s16], [sflag:$0x2] =	stream.indirect.gather [hbm4b:s5+s28], $0x80, s19, s28, $0xb8;
	[tilespmem:$0x1F280] =	vst v63  }
0x48: {  	_ =	swait.ge [sflag:s17], $0x5800  }
0x49: {  	[sflag:s17] =	ssyncset.done $0x0  }
0x4a: {  	[sflag:s17] =	ssyncadd.s32 $0xFFFFA800  }
0x4b: {  	[spmem:s1] =	stream.indirect.scatter.add.f32 [tilespmem:s29], [sflag:$0x7], $0x80, s31, s28, $0xb8;
	[tilespmem:$0x1F280] =	vst v63  }
0x4c: {  	_ =	swait.ge [sflag:s18], $0x5800  }
0x4d: {  	[sflag:s18] =	ssyncset.done $0x0  }
0x4e: {  	s9 =	sadd.s32 @!p2 $0x6E, s9;
	s11 =	simm.s32 @!p2 $0x100;
	[sflag:s18] =	ssyncadd.s32 $0xFFFFA800  }
0x4f: {  	[tilespmem:s11], [sflag:$0x4] =	stream.linear.gather @!p2 [hbm4b:s9+s13], $0xB0, $0x38;
	[tilespmem:$0x1F280] =	vst v63  }
0x50: {  	s9 =	sadd.s32 @!p2 $0x6E, s10;
	s10 =	simm.s32 @!p2 $0x500  }
0x51: {  	[tilespmem:s10], [sflag:$0x4] =	stream.linear.gather @!p2 [hbm4b:s9+s13], $0xB0, $0x38;
	[tilespmem:$0x1F280] =	vst v63  }
0x52: {  	s9 =	simm.s32 @!p2 $0x3  }
0x53: {  	_ =	swait.ge @!p2 [sflag:s9], $0xB0  }
0x54: {  	[sflag:s9] =	ssyncset.done @!p2 $0x0  }
0x55: {  	[sflag:s9] =	ssyncadd.s32 @!p2 $0xFFFFFF50  }
0x56: {  	_ =	swait.ge @!p2 [sflag:s9], $0xB0  }
0x57: {  	[sflag:s9] =	ssyncset.done @!p2 $0x0  }
0x58: {  	s10 =	simm.s32 @!p2 $0x800;
	[sflag:s9] =	ssyncadd.s32 @!p2 $0xFFFFFF50;
	s9 =	simm.s32 @!p2 $0xB0  }
0x59: {  	[tilespmem:s10], [sflag:$0x1] =	stream.indirect.gather @!p2 [hbm4b:s5+s9], $0x80, s13, s9, $0xb8;
	[tilespmem:$0x1F280] =	vst v63  }
0x5a: {  	_ =	swait.ge [sflag:s7], $0x5800  }
0x5b: {  	[sflag:s7] =	ssyncset.done $0x0  }
0x5c: {  	[sflag:s7] =	ssyncadd.s32 $0xFFFFA800  }
0x5d: {  	[spmem:s1] =	stream.indirect.scatter.add.f32 [tilespmem:s16], [sflag:$0x7], $0x80, s2, s28, $0xb8;
	[tilespmem:$0x1F280] =	vst v63  }
0x5e: {  	_ =	swait.ge [sflag:s18], $0x5800  }
0x5f: {  	[sflag:s18] =	ssyncset.done $0x0  }
0x60: {  	s13 =	simm.s32 $0xB800;
	s11 =	rddreg [dreg:$0xb];
	[sflag:s18] =	ssyncadd.s32 $0xFFFFA800  }
0x61: {  	[tilespmem:s13], [sflag:$0x7] =	stream.linear.gather [hbm4b:s11+s3], $0x90, $0x38;
	[tilespmem:$0x1F280] =	vst v63  }
0x62: {  	_ =	swait.ge [sflag:s18], $0x90  }
0x63: {  	[sflag:s18] =	ssyncset.done $0x0  }
0x64: {  	s20 =	simm.s32 $0xB900;
	s14 =	rddreg [dreg:$0xc];
	[sflag:s18] =	ssyncadd.s32 $0xFFFFFF70  }
0x65: {  	[tilespmem:s20], [sflag:$0x7] =	stream.linear.gather [hbm4b:s14+s3], $0x90, $0x38;
	[tilespmem:$0x1F280] =	vst v63  }
0x66: {  	_ =	swait.ge [sflag:s18], $0x90  }
0x67: {  	[sflag:s18] =	ssyncset.done $0x0  }
0x68: {  	s26 =	simm.s32 $0x90;
	[sflag:s18] =	ssyncadd.s32 $0xFFFFFF70  }
0x69: {  	[tilespmem:s29], [sflag:$0x1] =	stream.indirect.gather [hbm4b:s5+s26], $0x80, s13, s26, $0xb8;
	[tilespmem:$0x1F280] =	vst v63  }
0x6a: {  	_ =	swait.ge [sflag:s17], $0x4800  }
0x6b: {  	[sflag:s17] =	ssyncset.done $0x0  }
0x6c: {  	[sflag:s17] =	ssyncadd.s32 $0xFFFFB800  }
0x6d: {  	[spmem:s1] =	stream.indirect.scatter.add.f32 [tilespmem:s29], [sflag:$0x7], $0x80, s20, s26, $0xb8;
	[tilespmem:$0x1F280] =	vst v63  }
0x6e: {  	_ =	swait.ge [sflag:s18], $0x4800  }
0x6f: {  	[sflag:s18] =	ssyncset.done $0x0  }
0x70: {  	[sflag:s18] =	ssyncadd.s32 $0xFFFFB800  }
0x71: {  	[bflag:$0x0] =	sbarrier.arrive $0xFFFF  }
0x72: {  	s9 =	simm.s32 @p1 $0x1FC7;
	s10 =	rddreg [dreg:$0x10]  }
0x73: {  	[hbm:s10], [sflag:s9] =	dma.local @p1 [spmem:s15], $0x2800  }
0x74: {  	s9 =	simm.s32 @p1 $0x7  }
0x75: {  	_ =	swait.ge @p1 [sflag:s9], $0x2800  }
0x76: {  	s10 =	rddreg [dreg:$0x12]  }
0x77: {  	[sflag:s9] =	ssyncset.done @p1 $0x0;
	s11 =	rddreg [dreg:$0x13]  }
0x78: {  	[sflag:s9] =	ssyncadd.s32 @p1 $0xFFFFD800;
	s9 =	rddreg [dreg:$0xf]  }
0x79: {  	[hbm:s9], [sflag:s11] =	dma.local @!p1 [spmem:s10], $0x2700  }
0x7a: {  	s9 =	simm.s32 @!p1 $0x7  }
0x7b: {  	_ =	swait.ge @!p1 [sflag:s9], $0x2700  }
0x7c: {  	[sflag:s9] =	ssyncset.done @!p1 $0x0  }
0x7d: {  	[sflag:s9] =	ssyncadd.s32 @!p1 $0xFFFFD900  }
.LBB2_8:
0x7e: {  	s12 =	sadd.s32 $0x1, s12;
	s9 =	rddreg [dreg:$0x11]  }
0x7f: {  	p2 =	sne.s32 s12, s9  }
.Ltmp1:
0x80: {  	_ = 	snop;
	(pc) =	sbr.rel @!p2 .LBB2_9-.Ltmp1, $1  }
0x81: {  	_ =	sdelay $0x3  }
.LBB2_1:
.Ltmp2:
0x82: {  	s10 =	rddreg [dreg:$0x5];
	(pc) =	sbr.rel @!p0 .LBB2_2-.Ltmp2, $4  }
0x83: {  	s9 =	stileid.u32;
	s15 =	sshrl.u32 @p1 s10, $0x3;
	s10 =	rddreg [dreg:$0x3]  }
0x84: {  	s9 =	sshll.u32 @!p1 s9, $0x6;
	s11 =	sshrl.u32 @!p1 s10, $0x3  }
0x85: {  	s13 =	sor.u32 @!p1 $0x1C07, s9;
	[dreg:$0x12] =	wrdreg s11  }
0x86: {  	[dreg:$0x13] =	wrdreg s13  }
0x87: {  	s9 =	simm.s32 @p1 $0x1FC7;
	s10 =	rddreg [dreg:$0x6]  }
0x88: {  	[spmem:s15], [sflag:s9] =	dma.local @p1 [hbm:s10], $0x2800  }
0x89: {  	s9 =	simm.s32 @p1 $0x7  }
0x8a: {  	_ =	swait.ge @p1 [sflag:s9], $0x2800  }
0x8b: {  	[sflag:s9] =	ssyncset.done @p1 $0x0  }
0x8c: {  	[sflag:s9] =	ssyncadd.s32 @p1 $0xFFFFD800;
	s9 =	rddreg [dreg:$0x4]  }
0x8d: {  	[spmem:s11], [sflag:s13] =	dma.local @!p1 [hbm:s9], $0x2700  }
0x8e: {  	s9 =	simm.s32 @!p1 $0x7  }
0x8f: {  	_ =	swait.ge @!p1 [sflag:s9], $0x2700  }
0x90: {  	[sflag:s9] =	ssyncset.done @!p1 $0x0  }
0x91: {  	[sflag:s9] =	ssyncadd.s32 @!p1 $0xFFFFD900  }
0x92: {  	[bflag:$0x0] =	sbarrier.arrive $0xFFFF  }
0x93: {  	s9 =	simm.s32 $0x0;
	s11 =	rddreg [dreg:$0x7]  }
0x94: {  	[tilespmem:s9], [sflag:$0x3] =	stream.linear.gather [hbm4b:s11+s9], $0xB0, $0x38;
	[tilespmem:$0x1F280] =	vst v63  }
0x95: {  	s13 =	rddreg [dreg:$0x8]  }
0x96: {  	[tilespmem:s23], [sflag:$0x3] =	stream.linear.gather [hbm4b:s13+s9], $0xB0, $0x38;
	[tilespmem:$0x1F280] =	vst v63  }
0x97: {  	s14 =	rddreg [dreg:$0x9]  }
0x98: {  	[tilespmem:s24], [sflag:$0x4] =	stream.linear.gather [hbm4b:s14+s9], $0xB0, $0x38;
	[tilespmem:$0x1F280] =	vst v63  }
0x99: {  	s26 =	simm.s32 $0x3;
	s20 =	rddreg [dreg:$0xa]  }
0x9a: {  	[tilespmem:s25], [sflag:$0x4] =	stream.linear.gather [hbm4b:s20+s9], $0xB0, $0x38;
	[tilespmem:$0x1F280] =	vst v63  }
0x9b: {  	_ =	swait.ge [sflag:s26], $0xB0  }
0x9c: {  	[sflag:s26] =	ssyncset.done $0x0  }
0x9d: {  	[sflag:s26] =	ssyncadd.s32 $0xFFFFFF50  }
0x9e: {  	_ =	swait.ge [sflag:s26], $0xB0  }
0x9f: {  	[sflag:s26] =	ssyncset.done $0x0  }
0xa0: {  	s11 =	sadd.s32 $0x0, s22;
	[sflag:s26] =	ssyncadd.s32 $0xFFFFFF50  }
0xa1: {  	[tilespmem:s29], [sflag:$0x1] =	stream.indirect.gather [hbm4b:s5+s28], $0x80, s9, s28, $0xb8;
	[tilespmem:$0x1F280] =	vst v63  }
0xa2: {  	s13 =	sadd.s32 $0x2C, s11;
	s14 =	sadd.s32 $0x0, s21  }
0xa3: {  	[tilespmem:s30], [sflag:$0x5] =	stream.linear.gather [hbm4b:s13+s3], $0xB0, $0x38;
	[tilespmem:$0x1F280] =	vst v63  }
0xa4: {  	s20 =	sadd.s32 $0x2C, s14  }
0xa5: {  	[tilespmem:s31], [sflag:$0x5] =	stream.linear.gather [hbm4b:s20+s3], $0xB0, $0x38;
	[tilespmem:$0x1F280] =	vst v63  }
0xa6: {  	_ =	swait.ge [sflag:s0], $0xB0  }
0xa7: {  	[sflag:s0] =	ssyncset.done $0x0  }
0xa8: {  	[sflag:s0] =	ssyncadd.s32 $0xFFFFFF50  }
0xa9: {  	_ =	swait.ge [sflag:s0], $0xB0  }
0xaa: {  	[sflag:s0] =	ssyncset.done $0x0  }
0xab: {  	[sflag:s0] =	ssyncadd.s32 $0xFFFFFF50  }
0xac: {  	[tilespmem:s16], [sflag:$0x2] =	stream.indirect.gather [hbm4b:s5+s28], $0x80, s24, s28, $0xb8;
	[tilespmem:$0x1F280] =	vst v63  }
0xad: {  	_ =	swait.ge [sflag:s17], $0x5800  }
0xae: {  	[sflag:s17] =	ssyncset.done $0x0  }
0xaf: {  	[sflag:s17] =	ssyncadd.s32 $0xFFFFA800  }
0xb0: {  	[spmem:s1] =	stream.indirect.scatter.add.f32 [tilespmem:s29], [sflag:$0x7], $0x80, s23, s28, $0xb8;
	[tilespmem:$0x1F280] =	vst v63  }
0xb1: {  	_ =	swait.ge [sflag:s18], $0x5800  }
0xb2: {  	[sflag:s18] =	ssyncset.done $0x0  }
0xb3: {  	s9 =	sadd.s32 $0x42, s11;
	[sflag:s18] =	ssyncadd.s32 $0xFFFFA800  }
0xb4: {  	[tilespmem:s19], [sflag:$0x6] =	stream.linear.gather [hbm4b:s9+s3], $0xB0, $0x38;
	[tilespmem:$0x1F280] =	vst v63  }
0xb5: {  	s26 =	sadd.s32 $0x42, s14  }
0xb6: {  	[tilespmem:s2], [sflag:$0x6] =	stream.linear.gather [hbm4b:s26+s3], $0xB0, $0x38;
	[tilespmem:$0x1F280] =	vst v63  }
0xb7: {  	_ =	swait.ge [sflag:s6], $0xB0  }
0xb8: {  	[sflag:s6] =	ssyncset.done $0x0  }
0xb9: {  	[sflag:s6] =	ssyncadd.s32 $0xFFFFFF50  }
0xba: {  	_ =	swait.ge [sflag:s6], $0xB0  }
0xbb: {  	[sflag:s6] =	ssyncset.done $0x0  }
0xbc: {  	[sflag:s6] =	ssyncadd.s32 $0xFFFFFF50  }
0xbd: {  	[tilespmem:s29], [sflag:$0x1] =	stream.indirect.gather [hbm4b:s5+s28], $0x80, s30, s28, $0xb8;
	[tilespmem:$0x1F280] =	vst v63  }
0xbe: {  	_ =	swait.ge [sflag:s7], $0x5800  }
0xbf: {  	[sflag:s7] =	ssyncset.done $0x0  }
0xc0: {  	[sflag:s7] =	ssyncadd.s32 $0xFFFFA800  }
0xc1: {  	[spmem:s1] =	stream.indirect.scatter.add.f32 [tilespmem:s16], [sflag:$0x7], $0x80, s25, s28, $0xb8;
	[tilespmem:$0x1F280] =	vst v63  }
0xc2: {  	p2 =	por $0x0, $0x0;
	_ =	swait.ge [sflag:s18], $0x5800  }
0xc3: {  	s10 =	sadd.s32 @!p2 $0x0, s21;
	s9 =	sadd.s32 @!p2 $0x0, s22;
	[sflag:s18] =	ssyncset.done $0x0  }
0xc4: {  	s13 =	simm.s32 @!p2 $0x0;
	s11 =	sadd.s32 @!p2 $0x58, s9;
	[sflag:s18] =	ssyncadd.s32 $0xFFFFA800  }
0xc5: {  	[tilespmem:s13], [sflag:$0x3] =	stream.linear.gather @!p2 [hbm4b:s11+s13], $0xB0, $0x38;
	[tilespmem:$0x1F280] =	vst v63  }
0xc6: {  	s14 =	simm.s32 @!p2 $0x400;
	s11 =	sadd.s32 @!p2 $0x58, s10  }
0xc7: {  	[tilespmem:s14], [sflag:$0x3] =	stream.linear.gather @!p2 [hbm4b:s11+s13], $0xB0, $0x38;
	[tilespmem:$0x1F280] =	vst v63  }
0xc8: {  	_ =	swait.ge [sflag:s8], $0xB0  }
0xc9: {  	[sflag:s8] =	ssyncset.done $0x0  }
0xca: {  	[sflag:s8] =	ssyncadd.s32 $0xFFFFFF50  }
0xcb: {  	_ =	swait.ge [sflag:s8], $0xB0  }
0xcc: {  	[sflag:s8] =	ssyncset.done $0x0  }
0xcd: {  	[sflag:s8] =	ssyncadd.s32 $0xFFFFFF50  }
0xce: {  	[tilespmem:s16], [sflag:$0x2] =	stream.indirect.gather [hbm4b:s5+s28], $0x80, s19, s28, $0xb8;
	[tilespmem:$0x1F280] =	vst v63  }
0xcf: {  	_ =	swait.ge [sflag:s17], $0x5800  }
0xd0: {  	[sflag:s17] =	ssyncset.done $0x0  }
0xd1: {  	[sflag:s17] =	ssyncadd.s32 $0xFFFFA800  }
0xd2: {  	[spmem:s1] =	stream.indirect.scatter.add.f32 [tilespmem:s29], [sflag:$0x7], $0x80, s31, s28, $0xb8;
	[tilespmem:$0x1F280] =	vst v63  }
0xd3: {  	_ =	swait.ge [sflag:s18], $0x5800  }
0xd4: {  	[sflag:s18] =	ssyncset.done $0x0  }
0xd5: {  	s9 =	sadd.s32 @!p2 $0x6E, s9;
	s11 =	simm.s32 @!p2 $0x100;
	[sflag:s18] =	ssyncadd.s32 $0xFFFFA800  }
0xd6: {  	[tilespmem:s11], [sflag:$0x4] =	stream.linear.gather @!p2 [hbm4b:s9+s13], $0xB0, $0x38;
	[tilespmem:$0x1F280] =	vst v63  }
0xd7: {  	s9 =	sadd.s32 @!p2 $0x6E, s10;
	s10 =	simm.s32 @!p2 $0x500  }
0xd8: {  	[tilespmem:s10], [sflag:$0x4] =	stream.linear.gather @!p2 [hbm4b:s9+s13], $0xB0, $0x38;
	[tilespmem:$0x1F280] =	vst v63  }
0xd9: {  	s9 =	simm.s32 @!p2 $0x3  }
0xda: {  	_ =	swait.ge @!p2 [sflag:s9], $0xB0  }
0xdb: {  	[sflag:s9] =	ssyncset.done @!p2 $0x0  }
0xdc: {  	[sflag:s9] =	ssyncadd.s32 @!p2 $0xFFFFFF50  }
0xdd: {  	_ =	swait.ge @!p2 [sflag:s9], $0xB0  }
0xde: {  	[sflag:s9] =	ssyncset.done @!p2 $0x0  }
0xdf: {  	s10 =	simm.s32 @!p2 $0x800;
	[sflag:s9] =	ssyncadd.s32 @!p2 $0xFFFFFF50;
	s9 =	simm.s32 @!p2 $0xB0  }
0xe0: {  	[tilespmem:s10], [sflag:$0x1] =	stream.indirect.gather @!p2 [hbm4b:s5+s9], $0x80, s13, s9, $0xb8;
	[tilespmem:$0x1F280] =	vst v63  }
0xe1: {  	_ =	swait.ge [sflag:s7], $0x5800  }
0xe2: {  	[sflag:s7] =	ssyncset.done $0x0  }
0xe3: {  	[sflag:s7] =	ssyncadd.s32 $0xFFFFA800  }
0xe4: {  	[spmem:s1] =	stream.indirect.scatter.add.f32 [tilespmem:s16], [sflag:$0x7], $0x80, s2, s28, $0xb8;
	[tilespmem:$0x1F280] =	vst v63  }
0xe5: {  	s20 =	simm.s32 $0x58;
	_ =	swait.ge [sflag:s18], $0x5800  }
0xe6: {  	s11 =	sadd.s32 $0x58, s22;
	s9 =	simm.s32 $0xB0;
	[sflag:s18] =	ssyncset.done $0x0  }
.LBB2_6:
0xe7: {  	s10 =	sadd.s32 $0x2C, s11;
	s13 =	sadd.s32 s20, s21;
	[sflag:s18] =	ssyncadd.s32 $0xFFFFA800  }
0xe8: {  	[tilespmem:s30], [sflag:$0x5] =	stream.linear.gather [hbm4b:s10+s3], $0xB0, $0x38;
	[tilespmem:$0x1F280] =	vst v63  }
0xe9: {  	s14 =	sadd.s32 $0x2C, s13;
	s10 =	smov.u32 s9;
	s9 =	sadd.s32 $0x58, s9  }
0xea: {  	[tilespmem:s31], [sflag:$0x5] =	stream.linear.gather [hbm4b:s14+s3], $0xB0, $0x38;
	[tilespmem:$0x1F280] =	vst v63  }
0xeb: {  	p2 =	sne.s32 s9, $0x4D0;
	_ =	swait.ge [sflag:s0], $0xB0  }
0xec: {  	[sflag:s0] =	ssyncset.done $0x0  }
0xed: {  	[sflag:s0] =	ssyncadd.s32 $0xFFFFFF50  }
0xee: {  	_ =	swait.ge [sflag:s0], $0xB0  }
0xef: {  	[sflag:s0] =	ssyncset.done $0x0  }
0xf0: {  	[sflag:s0] =	ssyncadd.s32 $0xFFFFFF50  }
0xf1: {  	[tilespmem:s16], [sflag:$0x2] =	stream.indirect.gather [hbm4b:s5+s28], $0x80, s24, s28, $0xb8;
	[tilespmem:$0x1F280] =	vst v63  }
0xf2: {  	_ =	swait.ge [sflag:s17], $0x5800  }
0xf3: {  	[sflag:s17] =	ssyncset.done $0x0  }
0xf4: {  	[sflag:s17] =	ssyncadd.s32 $0xFFFFA800  }
0xf5: {  	[spmem:s1] =	stream.indirect.scatter.add.f32 [tilespmem:s29], [sflag:$0x7], $0x80, s23, s28, $0xb8;
	[tilespmem:$0x1F280] =	vst v63  }
0xf6: {  	_ =	swait.ge [sflag:s18], $0x5800  }
0xf7: {  	[sflag:s18] =	ssyncset.done $0x0  }
0xf8: {  	s11 =	sadd.s32 $0x42, s11;
	[sflag:s18] =	ssyncadd.s32 $0xFFFFA800  }
0xf9: {  	[tilespmem:s19], [sflag:$0x6] =	stream.linear.gather [hbm4b:s11+s3], $0xB0, $0x38;
	[tilespmem:$0x1F280] =	vst v63  }
0xfa: {  	s11 =	sadd.s32 $0x42, s13  }
0xfb: {  	[tilespmem:s2], [sflag:$0x6] =	stream.linear.gather [hbm4b:s11+s3], $0xB0, $0x38;
	[tilespmem:$0x1F280] =	vst v63  }
0xfc: {  	_ =	swait.ge [sflag:s6], $0xB0  }
0xfd: {  	[sflag:s6] =	ssyncset.done $0x0  }
0xfe: {  	[sflag:s6] =	ssyncadd.s32 $0xFFFFFF50  }
0xff: {  	_ =	swait.ge [sflag:s6], $0xB0  }
0x100: {  	[sflag:s6] =	ssyncset.done $0x0  }
0x101: {  	[sflag:s6] =	ssyncadd.s32 $0xFFFFFF50  }
0x102: {  	[tilespmem:s29], [sflag:$0x1] =	stream.indirect.gather [hbm4b:s5+s28], $0x80, s30, s28, $0xb8;
	[tilespmem:$0x1F280] =	vst v63  }
0x103: {  	_ =	swait.ge [sflag:s7], $0x5800  }
0x104: {  	[sflag:s7] =	ssyncset.done $0x0  }
0x105: {  	[sflag:s7] =	ssyncadd.s32 $0xFFFFA800  }
0x106: {  	[spmem:s1] =	stream.indirect.scatter.add.f32 [tilespmem:s16], [sflag:$0x7], $0x80, s25, s28, $0xb8;
	[tilespmem:$0x1F280] =	vst v63  }
0x107: {  	p3 =	seq.s32 s20, $0x478;
	_ =	swait.ge [sflag:s18], $0x5800  }
0x108: {  	s13 =	sadd.s32 @!p3 s20, s21;
	s11 =	sadd.s32 @!p3 s20, s22;
	[sflag:s18] =	ssyncset.done $0x0  }
0x109: {  	s26 =	simm.s32 @!p3 $0x0;
	s14 =	sadd.s32 @!p3 $0x58, s11;
	[sflag:s18] =	ssyncadd.s32 $0xFFFFA800  }
0x10a: {  	[tilespmem:s26], [sflag:$0x3] =	stream.linear.gather @!p3 [hbm4b:s14+s26], $0xB0, $0x38;
	[tilespmem:$0x1F280] =	vst v63  }
0x10b: {  	s20 =	simm.s32 @!p3 $0x400;
	s11 =	sadd.s32 @!p3 $0x6E, s11;
	s14 =	sadd.s32 @!p3 $0x58, s13  }
0x10c: {  	[tilespmem:s20], [sflag:$0x3] =	stream.linear.gather @!p3 [hbm4b:s14+s26], $0xB0, $0x38;
	[tilespmem:$0x1F280] =	vst v63  }
0x10d: {  	s13 =	sadd.s32 @!p3 $0x6E, s13;
	s20 =	smov.u32 s10;
	_ =	swait.ge [sflag:s8], $0xB0  }
0x10e: {  	[sflag:s8] =	ssyncset.done $0x0  }
0x10f: {  	[sflag:s8] =	ssyncadd.s32 $0xFFFFFF50  }
0x110: {  	_ =	swait.ge [sflag:s8], $0xB0  }
0x111: {  	[sflag:s8] =	ssyncset.done $0x0  }
0x112: {  	[sflag:s8] =	ssyncadd.s32 $0xFFFFFF50  }
0x113: {  	[tilespmem:s16], [sflag:$0x2] =	stream.indirect.gather [hbm4b:s5+s28], $0x80, s19, s28, $0xb8;
	[tilespmem:$0x1F280] =	vst v63  }
0x114: {  	_ =	swait.ge [sflag:s17], $0x5800  }
0x115: {  	[sflag:s17] =	ssyncset.done $0x0  }
0x116: {  	[sflag:s17] =	ssyncadd.s32 $0xFFFFA800  }
0x117: {  	[spmem:s1] =	stream.indirect.scatter.add.f32 [tilespmem:s29], [sflag:$0x7], $0x80, s31, s28, $0xb8;
	[tilespmem:$0x1F280] =	vst v63  }
0x118: {  	_ =	swait.ge [sflag:s18], $0x5800  }
0x119: {  	[sflag:s18] =	ssyncset.done $0x0  }
0x11a: {  	s10 =	simm.s32 @!p3 $0x100;
	[sflag:s18] =	ssyncadd.s32 $0xFFFFA800  }
0x11b: {  	[tilespmem:s10], [sflag:$0x4] =	stream.linear.gather @!p3 [hbm4b:s11+s26], $0xB0, $0x38;
	[tilespmem:$0x1F280] =	vst v63  }
0x11c: {  	s10 =	simm.s32 @!p3 $0x500;
	s11 =	simm.s32 @!p3 $0x3  }
0x11d: {  	[tilespmem:s10], [sflag:$0x4] =	stream.linear.gather @!p3 [hbm4b:s13+s26], $0xB0, $0x38;
	[tilespmem:$0x1F280] =	vst v63  }
0x11e: {  	_ =	swait.ge @!p3 [sflag:s11], $0xB0  }
0x11f: {  	[sflag:s11] =	ssyncset.done @!p3 $0x0  }
0x120: {  	[sflag:s11] =	ssyncadd.s32 @!p3 $0xFFFFFF50  }
0x121: {  	_ =	swait.ge @!p3 [sflag:s11], $0xB0  }
0x122: {  	[sflag:s11] =	ssyncset.done @!p3 $0x0  }
0x123: {  	s10 =	simm.s32 @!p3 $0xB0;
	[sflag:s11] =	ssyncadd.s32 @!p3 $0xFFFFFF50;
	s11 =	simm.s32 @!p3 $0x800  }
0x124: {  	[tilespmem:s11], [sflag:$0x1] =	stream.indirect.gather @!p3 [hbm4b:s5+s10], $0x80, s26, s10, $0xb8;
	[tilespmem:$0x1F280] =	vst v63  }
0x125: {  	_ =	swait.ge [sflag:s7], $0x5800  }
.Ltmp3:
0x126: {  	[sflag:s7] =	ssyncset.done $0x0;
	(pc) =	sbr.rel @p2 .LBB2_6-.Ltmp3, $4  }
0x127: {  	[sflag:s7] =	ssyncadd.s32 $0xFFFFA800  }
0x128: {  	[spmem:s1] =	stream.indirect.scatter.add.f32 [tilespmem:s16], [sflag:$0x7], $0x80, s2, s28, $0xb8;
	[tilespmem:$0x1F280] =	vst v63  }
0x129: {  	_ =	swait.ge [sflag:s18], $0x5800  }
0x12a: {  	s11 =	sadd.s32 s20, s22;
	[sflag:s18] =	ssyncset.done $0x0  }
.Ltmp4:
0x12b: {  	_ = 	snop;
	(pc) =	sbr.rel .LBB2_7-.Ltmp4, $1  }
0x12c: {  	_ =	sdelay $0x3  }
.LBB2_2:
0x12d: {  	s9 =	simm.s32 @p1 $0x1FC7;
	s10 =	rddreg [dreg:$0x6]  }
0x12e: {  	[spmem:s15], [sflag:s9] =	dma.local @p1 [hbm:s10], $0x2800  }
0x12f: {  	s9 =	simm.s32 @p1 $0x7  }
0x130: {  	_ =	swait.ge @p1 [sflag:s9], $0x2800  }
0x131: {  	[sflag:s9] =	ssyncset.done @p1 $0x0  }
0x132: {  	[sflag:s9] =	ssyncadd.s32 @p1 $0xFFFFD800;
	s9 =	rddreg [dreg:$0x4]  }
0x133: {  	[spmem:s11], [sflag:s13] =	dma.local @!p1 [hbm:s9], $0x2700  }
0x134: {  	s9 =	simm.s32 @!p1 $0x7  }
0x135: {  	_ =	swait.ge @!p1 [sflag:s9], $0x2700  }
0x136: {  	[sflag:s9] =	ssyncset.done @!p1 $0x0  }
0x137: {  	[sflag:s9] =	ssyncadd.s32 @!p1 $0xFFFFD900  }
0x138: {  	[bflag:$0x0] =	sbarrier.arrive $0xFFFF  }
0x139: {  	s9 =	simm.s32 $0x0;
	s11 =	rddreg [dreg:$0x7]  }
0x13a: {  	[tilespmem:s9], [sflag:$0x3] =	stream.linear.gather [hbm4b:s11+s9], $0xB0, $0x38;
	[tilespmem:$0x1F280] =	vst v63  }
0x13b: {  	s13 =	rddreg [dreg:$0x8]  }
0x13c: {  	[tilespmem:s23], [sflag:$0x3] =	stream.linear.gather [hbm4b:s13+s9], $0xB0, $0x38;
	[tilespmem:$0x1F280] =	vst v63  }
0x13d: {  	s14 =	rddreg [dreg:$0x9]  }
0x13e: {  	[tilespmem:s24], [sflag:$0x4] =	stream.linear.gather [hbm4b:s14+s9], $0xB0, $0x38;
	[tilespmem:$0x1F280] =	vst v63  }
0x13f: {  	s26 =	simm.s32 $0x3;
	s20 =	rddreg [dreg:$0xa]  }
0x140: {  	[tilespmem:s25], [sflag:$0x4] =	stream.linear.gather [hbm4b:s20+s9], $0xB0, $0x38;
	[tilespmem:$0x1F280] =	vst v63  }
0x141: {  	_ =	swait.ge [sflag:s26], $0xB0  }
0x142: {  	[sflag:s26] =	ssyncset.done $0x0  }
0x143: {  	[sflag:s26] =	ssyncadd.s32 $0xFFFFFF50  }
0x144: {  	_ =	swait.ge [sflag:s26], $0xB0  }
0x145: {  	[sflag:s26] =	ssyncset.done $0x0  }
0x146: {  	s11 =	sadd.s32 $0x0, s22;
	[sflag:s26] =	ssyncadd.s32 $0xFFFFFF50  }
0x147: {  	[tilespmem:s29], [sflag:$0x1] =	stream.indirect.gather [hbm4b:s4+s28], $0x80, s9, s28, $0xb8;
	[tilespmem:$0x1F280] =	vst v63  }
0x148: {  	s13 =	sadd.s32 $0x2C, s11;
	s14 =	sadd.s32 $0x0, s21  }
0x149: {  	[tilespmem:s30], [sflag:$0x5] =	stream.linear.gather [hbm4b:s13+s3], $0xB0, $0x38;
	[tilespmem:$0x1F280] =	vst v63  }
0x14a: {  	s20 =	sadd.s32 $0x2C, s14  }
0x14b: {  	[tilespmem:s31], [sflag:$0x5] =	stream.linear.gather [hbm4b:s20+s3], $0xB0, $0x38;
	[tilespmem:$0x1F280] =	vst v63  }
0x14c: {  	_ =	swait.ge [sflag:s0], $0xB0  }
0x14d: {  	[sflag:s0] =	ssyncset.done $0x0  }
0x14e: {  	[sflag:s0] =	ssyncadd.s32 $0xFFFFFF50  }
0x14f: {  	_ =	swait.ge [sflag:s0], $0xB0  }
0x150: {  	[sflag:s0] =	ssyncset.done $0x0  }
0x151: {  	[sflag:s0] =	ssyncadd.s32 $0xFFFFFF50  }
0x152: {  	[tilespmem:s16], [sflag:$0x2] =	stream.indirect.gather [hbm4b:s4+s28], $0x80, s24, s28, $0xb8;
	[tilespmem:$0x1F280] =	vst v63  }
0x153: {  	_ =	swait.ge [sflag:s17], $0x5800  }
0x154: {  	[sflag:s17] =	ssyncset.done $0x0  }
0x155: {  	[sflag:s17] =	ssyncadd.s32 $0xFFFFA800  }
0x156: {  	[spmem:s1] =	stream.indirect.scatter.add.f32 [tilespmem:s29], [sflag:$0x7], $0x80, s23, s28, $0xb8;
	[tilespmem:$0x1F280] =	vst v63  }
0x157: {  	_ =	swait.ge [sflag:s18], $0x5800  }
0x158: {  	[sflag:s18] =	ssyncset.done $0x0  }
0x159: {  	s9 =	sadd.s32 $0x42, s11;
	[sflag:s18] =	ssyncadd.s32 $0xFFFFA800  }
0x15a: {  	[tilespmem:s19], [sflag:$0x6] =	stream.linear.gather [hbm4b:s9+s3], $0xB0, $0x38;
	[tilespmem:$0x1F280] =	vst v63  }
0x15b: {  	s26 =	sadd.s32 $0x42, s14  }
0x15c: {  	[tilespmem:s2], [sflag:$0x6] =	stream.linear.gather [hbm4b:s26+s3], $0xB0, $0x38;
	[tilespmem:$0x1F280] =	vst v63  }
0x15d: {  	_ =	swait.ge [sflag:s6], $0xB0  }
0x15e: {  	[sflag:s6] =	ssyncset.done $0x0  }
0x15f: {  	[sflag:s6] =	ssyncadd.s32 $0xFFFFFF50  }
0x160: {  	_ =	swait.ge [sflag:s6], $0xB0  }
0x161: {  	[sflag:s6] =	ssyncset.done $0x0  }
0x162: {  	[sflag:s6] =	ssyncadd.s32 $0xFFFFFF50  }
0x163: {  	[tilespmem:s29], [sflag:$0x1] =	stream.indirect.gather [hbm4b:s4+s28], $0x80, s30, s28, $0xb8;
	[tilespmem:$0x1F280] =	vst v63  }
0x164: {  	_ =	swait.ge [sflag:s7], $0x5800  }
0x165: {  	[sflag:s7] =	ssyncset.done $0x0  }
0x166: {  	[sflag:s7] =	ssyncadd.s32 $0xFFFFA800  }
0x167: {  	[spmem:s1] =	stream.indirect.scatter.add.f32 [tilespmem:s16], [sflag:$0x7], $0x80, s25, s28, $0xb8;
	[tilespmem:$0x1F280] =	vst v63  }
0x168: {  	p2 =	por $0x0, $0x0;
	_ =	swait.ge [sflag:s18], $0x5800  }
0x169: {  	s10 =	sadd.s32 @!p2 $0x0, s21;
	s9 =	sadd.s32 @!p2 $0x0, s22;
	[sflag:s18] =	ssyncset.done $0x0  }
0x16a: {  	s20 =	simm.s32 @!p2 $0x0;
	s11 =	sadd.s32 @!p2 $0x58, s9;
	[sflag:s18] =	ssyncadd.s32 $0xFFFFA800  }
0x16b: {  	[tilespmem:s20], [sflag:$0x3] =	stream.linear.gather @!p2 [hbm4b:s11+s20], $0xB0, $0x38;
	[tilespmem:$0x1F280] =	vst v63  }
0x16c: {  	s26 =	simm.s32 @!p2 $0x400;
	s11 =	sadd.s32 @!p2 $0x58, s10  }
0x16d: {  	[tilespmem:s26], [sflag:$0x3] =	stream.linear.gather @!p2 [hbm4b:s11+s20], $0xB0, $0x38;
	[tilespmem:$0x1F280] =	vst v63  }
0x16e: {  	_ =	swait.ge [sflag:s8], $0xB0  }
0x16f: {  	[sflag:s8] =	ssyncset.done $0x0  }
0x170: {  	[sflag:s8] =	ssyncadd.s32 $0xFFFFFF50  }
0x171: {  	_ =	swait.ge [sflag:s8], $0xB0  }
0x172: {  	[sflag:s8] =	ssyncset.done $0x0  }
0x173: {  	[sflag:s8] =	ssyncadd.s32 $0xFFFFFF50  }
0x174: {  	[tilespmem:s16], [sflag:$0x2] =	stream.indirect.gather [hbm4b:s4+s28], $0x80, s19, s28, $0xb8;
	[tilespmem:$0x1F280] =	vst v63  }
0x175: {  	_ =	swait.ge [sflag:s17], $0x5800  }
0x176: {  	[sflag:s17] =	ssyncset.done $0x0  }
0x177: {  	[sflag:s17] =	ssyncadd.s32 $0xFFFFA800  }
0x178: {  	[spmem:s1] =	stream.indirect.scatter.add.f32 [tilespmem:s29], [sflag:$0x7], $0x80, s31, s28, $0xb8;
	[tilespmem:$0x1F280] =	vst v63  }
0x179: {  	_ =	swait.ge [sflag:s18], $0x5800  }
0x17a: {  	[sflag:s18] =	ssyncset.done $0x0  }
0x17b: {  	s9 =	sadd.s32 @!p2 $0x6E, s9;
	s11 =	simm.s32 @!p2 $0x100;
	[sflag:s18] =	ssyncadd.s32 $0xFFFFA800  }
0x17c: {  	[tilespmem:s11], [sflag:$0x4] =	stream.linear.gather @!p2 [hbm4b:s9+s20], $0xB0, $0x38;
	[tilespmem:$0x1F280] =	vst v63  }
0x17d: {  	s9 =	sadd.s32 @!p2 $0x6E, s10;
	s10 =	simm.s32 @!p2 $0x500  }
0x17e: {  	[tilespmem:s10], [sflag:$0x4] =	stream.linear.gather @!p2 [hbm4b:s9+s20], $0xB0, $0x38;
	[tilespmem:$0x1F280] =	vst v63  }
0x17f: {  	s9 =	simm.s32 @!p2 $0x3  }
0x180: {  	_ =	swait.ge @!p2 [sflag:s9], $0xB0  }
0x181: {  	[sflag:s9] =	ssyncset.done @!p2 $0x0  }
0x182: {  	[sflag:s9] =	ssyncadd.s32 @!p2 $0xFFFFFF50  }
0x183: {  	_ =	swait.ge @!p2 [sflag:s9], $0xB0  }
0x184: {  	[sflag:s9] =	ssyncset.done @!p2 $0x0  }
0x185: {  	s10 =	simm.s32 @!p2 $0x800;
	[sflag:s9] =	ssyncadd.s32 @!p2 $0xFFFFFF50;
	s9 =	simm.s32 @!p2 $0xB0  }
0x186: {  	[tilespmem:s10], [sflag:$0x1] =	stream.indirect.gather @!p2 [hbm4b:s4+s9], $0x80, s20, s9, $0xb8;
	[tilespmem:$0x1F280] =	vst v63  }
0x187: {  	_ =	swait.ge [sflag:s7], $0x5800  }
0x188: {  	[sflag:s7] =	ssyncset.done $0x0  }
0x189: {  	[sflag:s7] =	ssyncadd.s32 $0xFFFFA800  }
0x18a: {  	[spmem:s1] =	stream.indirect.scatter.add.f32 [tilespmem:s16], [sflag:$0x7], $0x80, s2, s28, $0xb8;
	[tilespmem:$0x1F280] =	vst v63  }
0x18b: {  	s11 =	sadd.s32 $0x58, s22;
	_ =	swait.ge [sflag:s18], $0x5800  }
0x18c: {  	s20 =	simm.s32 $0x58;
	s9 =	simm.s32 $0xB0;
	[sflag:s18] =	ssyncset.done $0x0  }
.LBB2_3:
0x18d: {  	s10 =	sadd.s32 $0x2C, s11;
	s26 =	sadd.s32 s20, s21;
	[sflag:s18] =	ssyncadd.s32 $0xFFFFA800  }
0x18e: {  	[tilespmem:s30], [sflag:$0x5] =	stream.linear.gather [hbm4b:s10+s3], $0xB0, $0x38;
	[tilespmem:$0x1F280] =	vst v63  }
0x18f: {  	s13 =	sadd.s32 $0x2C, s26;
	s10 =	smov.u32 s9;
	s9 =	sadd.s32 $0x58, s9  }
0x190: {  	[tilespmem:s31], [sflag:$0x5] =	stream.linear.gather [hbm4b:s13+s3], $0xB0, $0x38;
	[tilespmem:$0x1F280] =	vst v63  }
0x191: {  	p2 =	sne.s32 s9, $0x4D0;
	_ =	swait.ge [sflag:s0], $0xB0  }
0x192: {  	[sflag:s0] =	ssyncset.done $0x0  }
0x193: {  	[sflag:s0] =	ssyncadd.s32 $0xFFFFFF50  }
0x194: {  	_ =	swait.ge [sflag:s0], $0xB0  }
0x195: {  	[sflag:s0] =	ssyncset.done $0x0  }
0x196: {  	[sflag:s0] =	ssyncadd.s32 $0xFFFFFF50  }
0x197: {  	[tilespmem:s16], [sflag:$0x2] =	stream.indirect.gather [hbm4b:s4+s28], $0x80, s24, s28, $0xb8;
	[tilespmem:$0x1F280] =	vst v63  }
0x198: {  	_ =	swait.ge [sflag:s17], $0x5800  }
0x199: {  	[sflag:s17] =	ssyncset.done $0x0  }
0x19a: {  	[sflag:s17] =	ssyncadd.s32 $0xFFFFA800  }
0x19b: {  	[spmem:s1] =	stream.indirect.scatter.add.f32 [tilespmem:s29], [sflag:$0x7], $0x80, s23, s28, $0xb8;
	[tilespmem:$0x1F280] =	vst v63  }
0x19c: {  	_ =	swait.ge [sflag:s18], $0x5800  }
0x19d: {  	[sflag:s18] =	ssyncset.done $0x0  }
0x19e: {  	s11 =	sadd.s32 $0x42, s11;
	[sflag:s18] =	ssyncadd.s32 $0xFFFFA800  }
0x19f: {  	[tilespmem:s19], [sflag:$0x6] =	stream.linear.gather [hbm4b:s11+s3], $0xB0, $0x38;
	[tilespmem:$0x1F280] =	vst v63  }
0x1a0: {  	s11 =	sadd.s32 $0x42, s26  }
0x1a1: {  	[tilespmem:s2], [sflag:$0x6] =	stream.linear.gather [hbm4b:s11+s3], $0xB0, $0x38;
	[tilespmem:$0x1F280] =	vst v63  }
0x1a2: {  	_ =	swait.ge [sflag:s6], $0xB0  }
0x1a3: {  	[sflag:s6] =	ssyncset.done $0x0  }
0x1a4: {  	[sflag:s6] =	ssyncadd.s32 $0xFFFFFF50  }
0x1a5: {  	_ =	swait.ge [sflag:s6], $0xB0  }
0x1a6: {  	[sflag:s6] =	ssyncset.done $0x0  }
0x1a7: {  	[sflag:s6] =	ssyncadd.s32 $0xFFFFFF50  }
0x1a8: {  	[tilespmem:s29], [sflag:$0x1] =	stream.indirect.gather [hbm4b:s4+s28], $0x80, s30, s28, $0xb8;
	[tilespmem:$0x1F280] =	vst v63  }
0x1a9: {  	_ =	swait.ge [sflag:s7], $0x5800  }
0x1aa: {  	[sflag:s7] =	ssyncset.done $0x0  }
0x1ab: {  	[sflag:s7] =	ssyncadd.s32 $0xFFFFA800  }
0x1ac: {  	[spmem:s1] =	stream.indirect.scatter.add.f32 [tilespmem:s16], [sflag:$0x7], $0x80, s25, s28, $0xb8;
	[tilespmem:$0x1F280] =	vst v63  }
0x1ad: {  	p3 =	seq.s32 s20, $0x478;
	_ =	swait.ge [sflag:s18], $0x5800  }
0x1ae: {  	s13 =	sadd.s32 @!p3 s20, s21;
	s11 =	sadd.s32 @!p3 s20, s22;
	[sflag:s18] =	ssyncset.done $0x0  }
0x1af: {  	s26 =	simm.s32 @!p3 $0x0;
	s20 =	sadd.s32 @!p3 $0x58, s11;
	[sflag:s18] =	ssyncadd.s32 $0xFFFFA800  }
0x1b0: {  	[tilespmem:s26], [sflag:$0x3] =	stream.linear.gather @!p3 [hbm4b:s20+s26], $0xB0, $0x38;
	[tilespmem:$0x1F280] =	vst v63  }
0x1b1: {  	s14 =	simm.s32 @!p3 $0x400;
	s11 =	sadd.s32 @!p3 $0x6E, s11;
	s20 =	sadd.s32 @!p3 $0x58, s13  }
0x1b2: {  	[tilespmem:s14], [sflag:$0x3] =	stream.linear.gather @!p3 [hbm4b:s20+s26], $0xB0, $0x38;
	[tilespmem:$0x1F280] =	vst v63  }
0x1b3: {  	s13 =	sadd.s32 @!p3 $0x6E, s13;
	s20 =	smov.u32 s10;
	_ =	swait.ge [sflag:s8], $0xB0  }
0x1b4: {  	[sflag:s8] =	ssyncset.done $0x0  }
0x1b5: {  	[sflag:s8] =	ssyncadd.s32 $0xFFFFFF50  }
0x1b6: {  	_ =	swait.ge [sflag:s8], $0xB0  }
0x1b7: {  	[sflag:s8] =	ssyncset.done $0x0  }
0x1b8: {  	[sflag:s8] =	ssyncadd.s32 $0xFFFFFF50  }
0x1b9: {  	[tilespmem:s16], [sflag:$0x2] =	stream.indirect.gather [hbm4b:s4+s28], $0x80, s19, s28, $0xb8;
	[tilespmem:$0x1F280] =	vst v63  }
0x1ba: {  	_ =	swait.ge [sflag:s17], $0x5800  }
0x1bb: {  	[sflag:s17] =	ssyncset.done $0x0  }
0x1bc: {  	[sflag:s17] =	ssyncadd.s32 $0xFFFFA800  }
0x1bd: {  	[spmem:s1] =	stream.indirect.scatter.add.f32 [tilespmem:s29], [sflag:$0x7], $0x80, s31, s28, $0xb8;
	[tilespmem:$0x1F280] =	vst v63  }
0x1be: {  	_ =	swait.ge [sflag:s18], $0x5800  }
0x1bf: {  	[sflag:s18] =	ssyncset.done $0x0  }
0x1c0: {  	s10 =	simm.s32 @!p3 $0x100;
	[sflag:s18] =	ssyncadd.s32 $0xFFFFA800  }
0x1c1: {  	[tilespmem:s10], [sflag:$0x4] =	stream.linear.gather @!p3 [hbm4b:s11+s26], $0xB0, $0x38;
	[tilespmem:$0x1F280] =	vst v63  }
0x1c2: {  	s10 =	simm.s32 @!p3 $0x500;
	s11 =	simm.s32 @!p3 $0x3  }
0x1c3: {  	[tilespmem:s10], [sflag:$0x4] =	stream.linear.gather @!p3 [hbm4b:s13+s26], $0xB0, $0x38;
	[tilespmem:$0x1F280] =	vst v63  }
0x1c4: {  	_ =	swait.ge @!p3 [sflag:s11], $0xB0  }
0x1c5: {  	[sflag:s11] =	ssyncset.done @!p3 $0x0  }
0x1c6: {  	[sflag:s11] =	ssyncadd.s32 @!p3 $0xFFFFFF50  }
0x1c7: {  	_ =	swait.ge @!p3 [sflag:s11], $0xB0  }
0x1c8: {  	[sflag:s11] =	ssyncset.done @!p3 $0x0  }
0x1c9: {  	s10 =	simm.s32 @!p3 $0xB0;
	[sflag:s11] =	ssyncadd.s32 @!p3 $0xFFFFFF50;
	s11 =	simm.s32 @!p3 $0x800  }
0x1ca: {  	[tilespmem:s11], [sflag:$0x1] =	stream.indirect.gather @!p3 [hbm4b:s4+s10], $0x80, s26, s10, $0xb8;
	[tilespmem:$0x1F280] =	vst v63  }
0x1cb: {  	_ =	swait.ge [sflag:s7], $0x5800  }
.Ltmp5:
0x1cc: {  	[sflag:s7] =	ssyncset.done $0x0;
	(pc) =	sbr.rel @p2 .LBB2_3-.Ltmp5, $4  }
0x1cd: {  	[sflag:s7] =	ssyncadd.s32 $0xFFFFA800  }
0x1ce: {  	[spmem:s1] =	stream.indirect.scatter.add.f32 [tilespmem:s16], [sflag:$0x7], $0x80, s2, s28, $0xb8;
	[tilespmem:$0x1F280] =	vst v63  }
0x1cf: {  	_ =	swait.ge [sflag:s18], $0x5800  }
0x1d0: {  	s11 =	sadd.s32 s20, s22;
	[sflag:s18] =	ssyncset.done $0x0  }
0x1d1: {  	s9 =	sadd.s32 $0x2C, s11;
	s10 =	sadd.s32 s20, s21;
	[sflag:s18] =	ssyncadd.s32 $0xFFFFA800  }
0x1d2: {  	[tilespmem:s30], [sflag:$0x5] =	stream.linear.gather [hbm4b:s9+s3], $0xB0, $0x38;
	[tilespmem:$0x1F280] =	vst v63  }
0x1d3: {  	s14 =	sadd.s32 $0x2C, s10  }
0x1d4: {  	[tilespmem:s31], [sflag:$0x5] =	stream.linear.gather [hbm4b:s14+s3], $0xB0, $0x38;
	[tilespmem:$0x1F280] =	vst v63  }
0x1d5: {  	_ =	swait.ge [sflag:s0], $0xB0  }
0x1d6: {  	[sflag:s0] =	ssyncset.done $0x0  }
0x1d7: {  	[sflag:s0] =	ssyncadd.s32 $0xFFFFFF50  }
0x1d8: {  	_ =	swait.ge [sflag:s0], $0xB0  }
0x1d9: {  	[sflag:s0] =	ssyncset.done $0x0  }
0x1da: {  	[sflag:s0] =	ssyncadd.s32 $0xFFFFFF50  }
0x1db: {  	[tilespmem:s16], [sflag:$0x2] =	stream.indirect.gather [hbm4b:s4+s28], $0x80, s24, s28, $0xb8;
	[tilespmem:$0x1F280] =	vst v63  }
0x1dc: {  	_ =	swait.ge [sflag:s17], $0x5800  }
0x1dd: {  	[sflag:s17] =	ssyncset.done $0x0  }
0x1de: {  	[sflag:s17] =	ssyncadd.s32 $0xFFFFA800  }
0x1df: {  	[spmem:s1] =	stream.indirect.scatter.add.f32 [tilespmem:s29], [sflag:$0x7], $0x80, s23, s28, $0xb8;
	[tilespmem:$0x1F280] =	vst v63  }
0x1e0: {  	_ =	swait.ge [sflag:s18], $0x5800  }
0x1e1: {  	[sflag:s18] =	ssyncset.done $0x0  }
0x1e2: {  	s26 =	sadd.s32 $0x42, s11;
	[sflag:s18] =	ssyncadd.s32 $0xFFFFA800  }
0x1e3: {  	[tilespmem:s19], [sflag:$0x6] =	stream.linear.gather [hbm4b:s26+s3], $0xB0, $0x38;
	[tilespmem:$0x1F280] =	vst v63  }
0x1e4: {  	s10 =	sadd.s32 $0x42, s10  }
0x1e5: {  	[tilespmem:s2], [sflag:$0x6] =	stream.linear.gather [hbm4b:s10+s3], $0xB0, $0x38;
	[tilespmem:$0x1F280] =	vst v63  }
0x1e6: {  	_ =	swait.ge [sflag:s6], $0xB0  }
0x1e7: {  	[sflag:s6] =	ssyncset.done $0x0  }
0x1e8: {  	[sflag:s6] =	ssyncadd.s32 $0xFFFFFF50  }
0x1e9: {  	_ =	swait.ge [sflag:s6], $0xB0  }
0x1ea: {  	[sflag:s6] =	ssyncset.done $0x0  }
0x1eb: {  	[sflag:s6] =	ssyncadd.s32 $0xFFFFFF50  }
0x1ec: {  	[tilespmem:s29], [sflag:$0x1] =	stream.indirect.gather [hbm4b:s4+s28], $0x80, s30, s28, $0xb8;
	[tilespmem:$0x1F280] =	vst v63  }
0x1ed: {  	_ =	swait.ge [sflag:s7], $0x5800  }
0x1ee: {  	[sflag:s7] =	ssyncset.done $0x0  }
0x1ef: {  	[sflag:s7] =	ssyncadd.s32 $0xFFFFA800  }
0x1f0: {  	[spmem:s1] =	stream.indirect.scatter.add.f32 [tilespmem:s16], [sflag:$0x7], $0x80, s25, s28, $0xb8;
	[tilespmem:$0x1F280] =	vst v63  }
0x1f1: {  	p2 =	seq.s32 s20, $0x478;
	_ =	swait.ge [sflag:s18], $0x5800  }
0x1f2: {  	s9 =	sadd.s32 @!p2 s20, s22;
	s13 =	simm.s32 @!p2 $0x0;
	[sflag:s18] =	ssyncset.done $0x0  }
0x1f3: {  	s11 =	sadd.s32 @!p2 $0x58, s9;
	s10 =	sadd.s32 @!p2 s20, s21;
	[sflag:s18] =	ssyncadd.s32 $0xFFFFA800  }
0x1f4: {  	[tilespmem:s13], [sflag:$0x3] =	stream.linear.gather @!p2 [hbm4b:s11+s13], $0xB0, $0x38;
	[tilespmem:$0x1F280] =	vst v63  }
0x1f5: {  	s14 =	simm.s32 @!p2 $0x400;
	s11 =	sadd.s32 @!p2 $0x58, s10  }
0x1f6: {  	[tilespmem:s14], [sflag:$0x3] =	stream.linear.gather @!p2 [hbm4b:s11+s13], $0xB0, $0x38;
	[tilespmem:$0x1F280] =	vst v63  }
0x1f7: {  	_ =	swait.ge [sflag:s8], $0xB0  }
0x1f8: {  	[sflag:s8] =	ssyncset.done $0x0  }
0x1f9: {  	[sflag:s8] =	ssyncadd.s32 $0xFFFFFF50  }
0x1fa: {  	_ =	swait.ge [sflag:s8], $0xB0  }
0x1fb: {  	[sflag:s8] =	ssyncset.done $0x0  }
0x1fc: {  	[sflag:s8] =	ssyncadd.s32 $0xFFFFFF50  }
0x1fd: {  	[tilespmem:s16], [sflag:$0x2] =	stream.indirect.gather [hbm4b:s4+s28], $0x80, s19, s28, $0xb8;
	[tilespmem:$0x1F280] =	vst v63  }
0x1fe: {  	_ =	swait.ge [sflag:s17], $0x5800  }
0x1ff: {  	[sflag:s17] =	ssyncset.done $0x0  }
0x200: {  	[sflag:s17] =	ssyncadd.s32 $0xFFFFA800  }
0x201: {  	[spmem:s1] =	stream.indirect.scatter.add.f32 [tilespmem:s29], [sflag:$0x7], $0x80, s31, s28, $0xb8;
	[tilespmem:$0x1F280] =	vst v63  }
0x202: {  	_ =	swait.ge [sflag:s18], $0x5800  }
0x203: {  	[sflag:s18] =	ssyncset.done $0x0  }
0x204: {  	s9 =	sadd.s32 @!p2 $0x6E, s9;
	s11 =	simm.s32 @!p2 $0x100;
	[sflag:s18] =	ssyncadd.s32 $0xFFFFA800  }
0x205: {  	[tilespmem:s11], [sflag:$0x4] =	stream.linear.gather @!p2 [hbm4b:s9+s13], $0xB0, $0x38;
	[tilespmem:$0x1F280] =	vst v63  }
0x206: {  	s9 =	sadd.s32 @!p2 $0x6E, s10;
	s10 =	simm.s32 @!p2 $0x500  }
0x207: {  	[tilespmem:s10], [sflag:$0x4] =	stream.linear.gather @!p2 [hbm4b:s9+s13], $0xB0, $0x38;
	[tilespmem:$0x1F280] =	vst v63  }
0x208: {  	s9 =	simm.s32 @!p2 $0x3  }
0x209: {  	_ =	swait.ge @!p2 [sflag:s9], $0xB0  }
0x20a: {  	[sflag:s9] =	ssyncset.done @!p2 $0x0  }
0x20b: {  	[sflag:s9] =	ssyncadd.s32 @!p2 $0xFFFFFF50  }
0x20c: {  	_ =	swait.ge @!p2 [sflag:s9], $0xB0  }
0x20d: {  	[sflag:s9] =	ssyncset.done @!p2 $0x0  }
0x20e: {  	s10 =	simm.s32 @!p2 $0x800;
	[sflag:s9] =	ssyncadd.s32 @!p2 $0xFFFFFF50;
	s9 =	simm.s32 @!p2 $0xB0  }
0x20f: {  	[tilespmem:s10], [sflag:$0x1] =	stream.indirect.gather @!p2 [hbm4b:s4+s9], $0x80, s13, s9, $0xb8;
	[tilespmem:$0x1F280] =	vst v63  }
0x210: {  	_ =	swait.ge [sflag:s7], $0x5800  }
0x211: {  	[sflag:s7] =	ssyncset.done $0x0  }
0x212: {  	[sflag:s7] =	ssyncadd.s32 $0xFFFFA800  }
0x213: {  	[spmem:s1] =	stream.indirect.scatter.add.f32 [tilespmem:s16], [sflag:$0x7], $0x80, s2, s28, $0xb8;
	[tilespmem:$0x1F280] =	vst v63  }
0x214: {  	_ =	swait.ge [sflag:s18], $0x5800  }
0x215: {  	[sflag:s18] =	ssyncset.done $0x0  }
0x216: {  	s13 =	simm.s32 $0xB800;
	s11 =	rddreg [dreg:$0xb];
	[sflag:s18] =	ssyncadd.s32 $0xFFFFA800  }
0x217: {  	[tilespmem:s13], [sflag:$0x7] =	stream.linear.gather [hbm4b:s11+s3], $0x90, $0x38;
	[tilespmem:$0x1F280] =	vst v63  }
0x218: {  	_ =	swait.ge [sflag:s18], $0x90  }
0x219: {  	[sflag:s18] =	ssyncset.done $0x0  }
0x21a: {  	s20 =	simm.s32 $0xB900;
	s14 =	rddreg [dreg:$0xc];
	[sflag:s18] =	ssyncadd.s32 $0xFFFFFF70  }
0x21b: {  	[tilespmem:s20], [sflag:$0x7] =	stream.linear.gather [hbm4b:s14+s3], $0x90, $0x38;
	[tilespmem:$0x1F280] =	vst v63  }
0x21c: {  	_ =	swait.ge [sflag:s18], $0x90  }
0x21d: {  	[sflag:s18] =	ssyncset.done $0x0  }
0x21e: {  	s26 =	simm.s32 $0x90;
	[sflag:s18] =	ssyncadd.s32 $0xFFFFFF70  }
0x21f: {  	[tilespmem:s29], [sflag:$0x1] =	stream.indirect.gather [hbm4b:s4+s26], $0x80, s13, s26, $0xb8;
	[tilespmem:$0x1F280] =	vst v63  }
0x220: {  	_ =	swait.ge [sflag:s17], $0x4800  }
0x221: {  	[sflag:s17] =	ssyncset.done $0x0  }
0x222: {  	[sflag:s17] =	ssyncadd.s32 $0xFFFFB800  }
0x223: {  	[spmem:s1] =	stream.indirect.scatter.add.f32 [tilespmem:s29], [sflag:$0x7], $0x80, s20, s26, $0xb8;
	[tilespmem:$0x1F280] =	vst v63  }
0x224: {  	_ =	swait.ge [sflag:s18], $0x4800  }
0x225: {  	[sflag:s18] =	ssyncset.done $0x0  }
0x226: {  	[sflag:s18] =	ssyncadd.s32 $0xFFFFB800  }
0x227: {  	[bflag:$0x0] =	sbarrier.arrive $0xFFFF  }
0x228: {  	s9 =	simm.s32 @p1 $0x1FC7;
	s10 =	rddreg [dreg:$0xe]  }
0x229: {  	[hbm:s10], [sflag:s9] =	dma.local @p1 [spmem:s15], $0x2800  }
0x22a: {  	s9 =	simm.s32 @p1 $0x7  }
0x22b: {  	_ =	swait.ge @p1 [sflag:s9], $0x2800  }
0x22c: {  	s10 =	rddreg [dreg:$0x12]  }
0x22d: {  	[sflag:s9] =	ssyncset.done @p1 $0x0;
	s11 =	rddreg [dreg:$0x13]  }
0x22e: {  	[sflag:s9] =	ssyncadd.s32 @p1 $0xFFFFD800;
	s9 =	rddreg [dreg:$0xd]  }
0x22f: {  	[hbm:s9], [sflag:s11] =	dma.local @!p1 [spmem:s10], $0x2700  }
.Ltmp6:
0x230: {  	_ = 	snop;
	(pc) =	sbr.rel .LBB2_8-.Ltmp6, $4  }
0x231: {  	s9 =	simm.s32 @!p1 $0x7  }
0x232: {  	_ =	swait.ge @!p1 [sflag:s9], $0x2700  }
0x233: {  	[sflag:s9] =	ssyncset.done @!p1 $0x0  }
0x234: {  	[sflag:s9] =	ssyncadd.s32 @!p1 $0xFFFFD900  }
.LBB2_9:
0x235: {  	_ =	sfence.sel $0x180000  }
0x236: {  	[bflag:$0x0] =	sbarrier.arrive $0xFFFF  }
0x237: {  	_ =	strace $0x90000047  }
0x238: {  	s0 =	stileid.u32;
	[bflag:$0x2] =	sbarrier.arrive $0xFFFF  }
0x239: {  	p0 =	sne.s32 s0, $0x0;
	s0 =	rddreg [dreg:$0x2]  }
0x23a: {  	s0 =	sadd.s32 @!p0 $0x100000, s0  }
0x23b: {  	[sflag:s0] =	ssyncadd.tile.s32 @!p0 $0x1;
	_ =	shalt  }
.Lfunc_end2:
_tile_overlayer_lowered:
.L_overlay_start_2:
0x23c: {  	(tag) =	ssettag $0x2  }
0x23d: {  	s0 =	rddreg [dreg:$0x0];
	s2 =	stileid.u32  }
0x23e: {  	s1 =	rddreg [dreg:$0x1];
	p0 =	sne.s32 s2, $0x0  }
0x23f: {  	s3 =	rddreg [dreg:$0x2];
	[bflag:$0x3] =	sbarrier.arrive $0xFFFF;
	s2 =	simm.s32 @!p0 $0x1C07  }
0x240: {  	[timem:s3], [sflag:s2] =	dma.local @!p0 [hbm:s0], s1  }
0x241: {  	s0 =	simm.s32 @!p0 $0x7  }
0x242: {  	_ =	swait.ge @!p0 [sflag:s0], s1  }
0x243: {  	s1 =	ssub.s32 @!p0 $0x0, s1;
	[sflag:s0] =	ssyncset.done @!p0 $0x0  }
0x244: {  	[sflag:s0] =	ssyncadd.s32 @!p0 s1  }
0x245: {  	[bflag:$0x3] =	sbarrier.arrive $0xFFFF  }
0x246: {  	_ =	shalt  }

</sc_bundles>
